<compile_context>
chip_gen: v7x
topology: tpu7x:2x2x1
jax: 0.10.2.dev20260603
libtpu: 0.0.44.dev20260713+nightly
codegen_flags: <defaults>
</compile_context>

<pallas_src>
import functools

import jax
import jax.numpy as jnp
from jax import lax
from jax.experimental import pallas as pl
from jax.experimental.pallas import tpu as pltpu
from jax.experimental.pallas import tpu_sc as plsc

N = 10000
E = 320000
D_IN = 128
D_EDGE = 16
D_HALF = 64
D_BASE = 192
D_OUT = 128

NC = 2
NS = 16
NW = NC * NS
EDGES_TILE = E // NW

CHA = 200
CHUNKS_A = EDGES_TILE // CHA
CHC = 80
CHUNKS_C = EDGES_TILE // CHC
CHUNKS_C_MAIN = CHUNKS_C - 1

_mesh = plsc.VectorSubcoreMesh(
    core_axis_name="c", subcore_axis_name="s", num_cores=NC, num_subcores=NS)


def _phase_a_body(src_h, dst_h, ea_h, ones_h, z16_h, z8_h,
                  pn_out, deg_out,
                  pn_sh, deg_sh,
                  sidx0, sidx1, didx0, didx1, attr0, attr1, ones_v,
                  asem0, asem1, isem0, isem1):
    c = lax.axis_index("c")
    s = lax.axis_index("s")

    @pl.when(s < 10)
    def _():
        r0 = s * 1000
        pltpu.sync_copy(z16_h.at[pl.ds(r0, 1000)], pn_sh.at[pl.ds(r0, 1000)])
        pltpu.sync_copy(z8_h.at[pl.ds(r0, 1000)], deg_sh.at[pl.ds(r0, 1000)])

    wid = c * NS + s
    pltpu.sync_copy(ones_h, ones_v)
    plsc.subcore_barrier()

    pltpu.async_copy(src_h.at[wid, 0], sidx0, isem0)
    pltpu.async_copy(dst_h.at[wid, 0], didx0, isem0)
    pltpu.async_copy(src_h.at[wid, 1], sidx1, isem1)
    pltpu.async_copy(dst_h.at[wid, 1], didx1, isem1)
    pltpu.async_copy(ea_h.at[wid, pl.ds(0, CHA)], attr0, asem0)
    pltpu.async_copy(ea_h.at[wid, pl.ds(CHA, CHA)], attr1, asem1)

    @pl.loop(0, CHUNKS_A, step=2)
    def _(i):
        off = pl.multiple_of(i * CHA, 8)
        pltpu.make_async_copy(ea_h.at[wid, pl.ds(off, CHA)], attr0, asem0).wait()
        pltpu.make_async_copy(src_h.at[wid, i], sidx0, isem0).wait()
        pltpu.make_async_copy(dst_h.at[wid, i], didx0, isem0).wait()
        pltpu.sync_copy(attr0, pn_sh.at[sidx0], add=True)
        pltpu.sync_copy(ones_v, deg_sh.at[didx0], add=True)

        @pl.when(i + 2 < CHUNKS_A)
        def _():
            pltpu.async_copy(src_h.at[wid, i + 2], sidx0, isem0)
            pltpu.async_copy(dst_h.at[wid, i + 2], didx0, isem0)
            pltpu.async_copy(ea_h.at[wid, pl.ds(off + 2 * CHA, CHA)], attr0, asem0)

        pltpu.make_async_copy(ea_h.at[wid, pl.ds(off + CHA, CHA)], attr1, asem1).wait()
        pltpu.make_async_copy(src_h.at[wid, i + 1], sidx1, isem1).wait()
        pltpu.make_async_copy(dst_h.at[wid, i + 1], didx1, isem1).wait()
        pltpu.sync_copy(attr1, pn_sh.at[sidx1], add=True)
        pltpu.sync_copy(ones_v, deg_sh.at[didx1], add=True)

        @pl.when(i + 3 < CHUNKS_A)
        def _():
            pltpu.async_copy(src_h.at[wid, i + 3], sidx1, isem1)
            pltpu.async_copy(dst_h.at[wid, i + 3], didx1, isem1)
            pltpu.async_copy(ea_h.at[wid, pl.ds(off + 3 * CHA, CHA)], attr1, asem1)

    plsc.subcore_barrier()

    @pl.when(s < 10)
    def _():
        r0 = s * 1000
        pltpu.sync_copy(pn_sh.at[pl.ds(r0, 1000)], pn_out.at[c, pl.ds(r0, 1000)])
        pltpu.sync_copy(deg_sh.at[pl.ds(r0, 1000)], deg_out.at[c, pl.ds(r0, 1000)])


_phase_a = functools.partial(
    pl.kernel,
    out_type=(jax.ShapeDtypeStruct((NC, N, D_EDGE), jnp.float32),
              jax.ShapeDtypeStruct((NC, N, 8), jnp.float32)),
    mesh=_mesh,
    scratch_types=(
        pltpu.VMEM_SHARED((N, D_EDGE), jnp.float32),
        pltpu.VMEM_SHARED((N, 8), jnp.float32),
        pltpu.VMEM((CHA,), jnp.int32),
        pltpu.VMEM((CHA,), jnp.int32),
        pltpu.VMEM((CHA,), jnp.int32),
        pltpu.VMEM((CHA,), jnp.int32),
        pltpu.VMEM((CHA, D_EDGE), jnp.float32),
        pltpu.VMEM((CHA, D_EDGE), jnp.float32),
        pltpu.VMEM((CHA, 8), jnp.float32),
        pltpu.SemaphoreType.DMA,
        pltpu.SemaphoreType.DMA,
        pltpu.SemaphoreType.DMA,
        pltpu.SemaphoreType.DMA,
    ),
)(_phase_a_body)


def _phase_c_body(src_h, dst_h, g_h, z128_h,
                  agg_out,
                  agg_sh,
                  sidx0, sidx1, sidx2, sidx3,
                  didx0, didx1, didx2, didx3,
                  sdidx0, sdidx1, sdidx2, sdidx3,
                  rows0, rows1, rows2, rows3,
                  gsem0, gsem1, gsem2, gsem3,
                  isem0, isem1, isem2, isem3,
                  ssem0, ssem1, ssem2, ssem3):
    c = lax.axis_index("c")
    s = lax.axis_index("s")

    @pl.when(s < 10)
    def _():
        r0 = s * 1000
        pltpu.sync_copy(z128_h.at[pl.ds(r0, 1000)], agg_sh.at[pl.ds(r0, 1000)])

    wid = c * NS + s
    plsc.subcore_barrier()

    sidx = (sidx0, sidx1, sidx2, sidx3)
    didx = (didx0, didx1, didx2, didx3)
    sdidx = (sdidx0, sdidx1, sdidx2, sdidx3)
    rows = (rows0, rows1, rows2, rows3)
    gsem = (gsem0, gsem1, gsem2, gsem3)
    isem = (isem0, isem1, isem2, isem3)
    ssem = (ssem0, ssem1, ssem2, ssem3)

    def wait_scatter(b):
        pltpu.make_async_copy(rows[b], agg_sh.at[sdidx[b]], ssem[b]).wait()

    for b in range(4):
        pltpu.async_copy(src_h.at[wid, b], sidx[b], isem[b])
        pltpu.async_copy(dst_h.at[wid, b], didx[b], isem[b])
    for b in range(3):
        pltpu.make_async_copy(src_h.at[wid, b], sidx[b], isem[b]).wait()
        pltpu.make_async_copy(dst_h.at[wid, b], didx[b], isem[b]).wait()
        pltpu.async_copy(g_h.at[sidx[b]], rows[b], gsem[b])

    @pl.loop(0, CHUNKS_C_MAIN, step=4)
    def _(i):
        for b in range(4):
            k = i + b
            b3 = (b + 3) % 4
            pltpu.make_async_copy(g_h.at[sidx[b]], rows[b], gsem[b]).wait()

            if b == 0:
                @pl.when(i > 0)
                def _():
                    wait_scatter(b3)
            else:
                wait_scatter(b3)

            @pl.when(k + 3 < CHUNKS_C)
            def _():
                pltpu.make_async_copy(src_h.at[wid, k + 3], sidx[b3], isem[b3]).wait()
                pltpu.make_async_copy(dst_h.at[wid, k + 3], didx[b3], isem[b3]).wait()
                pltpu.async_copy(g_h.at[sidx[b3]], rows[b3], gsem[b3])

            for t in range(CHC // 16):
                sdidx[b][pl.ds(t * 16, 16)] = didx[b][pl.ds(t * 16, 16)]
            pltpu.async_copy(rows[b], agg_sh.at[sdidx[b]], ssem[b], add=True)

            @pl.when(k + 4 < CHUNKS_C)
            def _():
                pltpu.async_copy(src_h.at[wid, k + 4], sidx[b], isem[b])
                pltpu.async_copy(dst_h.at[wid, k + 4], didx[b], isem[b])

    pltpu.make_async_copy(g_h.at[sidx[0]], rows[0], gsem[0]).wait()
    wait_scatter(3)
    for t in range(CHC // 16):
        sdidx[0][pl.ds(t * 16, 16)] = didx[0][pl.ds(t * 16, 16)]
    pltpu.async_copy(rows[0], agg_sh.at[sdidx[0]], ssem[0], add=True)
    wait_scatter(0)

    plsc.subcore_barrier()

    @pl.when(s < 10)
    def _():
        r0 = s * 1000
        pltpu.sync_copy(agg_sh.at[pl.ds(r0, 1000)], agg_out.at[c, pl.ds(r0, 1000)])


_phase_c = functools.partial(
    pl.kernel,
    out_type=jax.ShapeDtypeStruct((NC, N, D_OUT), jnp.float32),
    mesh=_mesh,
    scratch_types=(
        (pltpu.VMEM_SHARED((N, D_OUT), jnp.float32),)
        + tuple(pltpu.VMEM((CHC,), jnp.int32) for _ in range(12))
        + tuple(pltpu.VMEM((CHC, D_OUT), jnp.float32) for _ in range(4))
        + tuple(pltpu.SemaphoreType.DMA for _ in range(12))
    ),
)(_phase_c_body)


_RB = 1000


def _dense1_body(x_ref, pn0_ref, pn1_ref, dg0_ref, dg1_ref,
                 We_ref, be_ref, W_ref, Wr_ref, bb_ref,
                 g_ref, base_ref):
    x = x_ref[...]
    pn = pn0_ref[...] + pn1_ref[...]
    deg = dg0_ref[...] + dg1_ref[...]
    dinv = lax.rsqrt(deg[:, :1] + 1.0)
    proj = jnp.dot(pn, We_ref[...], preferred_element_type=jnp.float32)
    proj = proj + be_ref[...]
    proj = jnp.where(proj >= 0, proj, 0.01 * proj)
    xcat = jnp.concatenate([x, proj], axis=1)
    h = jnp.dot(xcat, W_ref[...], preferred_element_type=jnp.float32)
    res = jnp.dot(xcat, Wr_ref[...], preferred_element_type=jnp.float32)
    g_ref[...] = h * dinv
    base_ref[...] = res + bb_ref[...]


def _dense1(x, pn0, pn1, dg0, dg1, We, be2, W, Wr, bb2):
    grid = (N // _RB,)
    return pl.pallas_call(
        _dense1_body,
        grid=grid,
        in_specs=[
            pl.BlockSpec((_RB, D_IN), lambda i: (i, 0)),
            pl.BlockSpec((_RB, D_EDGE), lambda i: (i, 0)),
            pl.BlockSpec((_RB, D_EDGE), lambda i: (i, 0)),
            pl.BlockSpec((_RB, 8), lambda i: (i, 0)),
            pl.BlockSpec((_RB, 8), lambda i: (i, 0)),
            pl.BlockSpec((D_EDGE, D_HALF), lambda i: (0, 0)),
            pl.BlockSpec((1, D_HALF), lambda i: (0, 0)),
            pl.BlockSpec((D_BASE, D_OUT), lambda i: (0, 0)),
            pl.BlockSpec((D_BASE, D_OUT), lambda i: (0, 0)),
            pl.BlockSpec((1, D_OUT), lambda i: (0, 0)),
        ],
        out_specs=[
            pl.BlockSpec((_RB, D_OUT), lambda i: (i, 0)),
            pl.BlockSpec((_RB, D_OUT), lambda i: (i, 0)),
        ],
        out_shape=[
            jax.ShapeDtypeStruct((N, D_OUT), jnp.float32),
            jax.ShapeDtypeStruct((N, D_OUT), jnp.float32),
        ],
    )(x, pn0, pn1, dg0, dg1, We, be2, W, Wr, bb2)


def _dense2_body(agg0_ref, agg1_ref, g_ref, base_ref,
                 dg0_ref, dg1_ref, out_ref):
    deg = dg0_ref[...] + dg1_ref[...]
    dinv = lax.rsqrt(deg[:, :1] + 1.0)
    agg = agg0_ref[...] + agg1_ref[...] + g_ref[...]
    out_ref[...] = jnp.maximum(dinv * agg + base_ref[...], 0.0)


def _dense2(agg0, agg1, g, base, dg0, dg1):
    grid = (N // _RB,)
    bspec = pl.BlockSpec((_RB, D_OUT), lambda i: (i, 0))
    return pl.pallas_call(
        _dense2_body,
        grid=grid,
        in_specs=[
            bspec, bspec, bspec, bspec,
            pl.BlockSpec((_RB, 8), lambda i: (i, 0)),
            pl.BlockSpec((_RB, 8), lambda i: (i, 0)),
        ],
        out_specs=bspec,
        out_shape=jax.ShapeDtypeStruct((N, D_OUT), jnp.float32),
    )(agg0, agg1, g, base, dg0, dg1)


@jax.jit
def _run(x, edge_index, edge_attr, We, be, W, b, Wr, br):
    src = edge_index[0]
    dst = edge_index[1]

    src_a = src.reshape(NW, CHUNKS_A, CHA)
    dst_a = dst.reshape(NW, CHUNKS_A, CHA)
    ea_a = edge_attr.reshape(NW, EDGES_TILE, D_EDGE)
    src_c = src.reshape(NW, CHUNKS_C, CHC)
    dst_c = dst.reshape(NW, CHUNKS_C, CHC)

    ones_v = jnp.ones((CHA, 8), jnp.float32)
    z16 = jnp.zeros((N, D_EDGE), jnp.float32)
    z8 = jnp.zeros((N, 8), jnp.float32)
    z128 = jnp.zeros((N, D_OUT), jnp.float32)

    pn_part, deg_part = _phase_a(src_a, dst_a, ea_a, ones_v, z16, z8)

    be2 = be.reshape(1, D_HALF)
    bb2 = (b + br).reshape(1, D_OUT)
    g, base = _dense1(x, pn_part[0], pn_part[1], deg_part[0], deg_part[1],
                      We, be2, W, Wr, bb2)

    agg = _phase_c(src_c, dst_c, g, z128)

    out = _dense2(agg[0], agg[1], g, base, deg_part[0], deg_part[1])
    return out


def kernel(x, edge_index, edge_attr, batch, We, be, W, b, Wr, br):
    return _run(x, edge_index, edge_attr, We, be, W, b, Wr, br)

# --- scband reference (transcript-rebuilt; emitter-appended) ---
"""Pipeline reference for scband-graph-convolution-wrapper-88536455840502 (READ-ONLY COPY).

The authoritative reference and input builder live on the scoring server;
editing this copy changes nothing except your own understanding.
"""

import jax, jax.numpy as jnp
import numpy as np

N = 10000
E = 320000
D_IN = 128
D_EDGE = 16
D_HALF = D_IN // 2  # 64
D_BASE = D_IN + D_HALF  # 192
D_OUT = 128


def setup_inputs(seed: int = 0) -> dict:
    key = jax.random.key(seed)
    ks = jax.random.split(key, 8)
    x = jax.random.normal(ks[0], (N, D_IN), dtype=jnp.float32)
    edge_index = jax.random.randint(ks[1], (2, E), 0, N, dtype=jnp.int32)
    edge_attr = jax.random.normal(ks[2], (E, D_EDGE), dtype=jnp.float32)
    batch = jnp.zeros((N,), dtype=jnp.int32)
    # edge_projection: Linear(16 -> 64)
    We = jax.random.normal(ks[3], (D_EDGE, D_HALF), dtype=jnp.float32) * (1.0 / np.sqrt(D_EDGE))
    be = jnp.zeros((D_HALF,), dtype=jnp.float32)
    # GCNConv lin: (192 -> 128) + bias
    W = jax.random.normal(ks[4], (D_BASE, D_OUT), dtype=jnp.float32) * (1.0 / np.sqrt(D_BASE))
    b = jnp.zeros((D_OUT,), dtype=jnp.float32)
    # residual Linear(192 -> 128)
    Wr = jax.random.normal(ks[5], (D_BASE, D_OUT), dtype=jnp.float32) * (1.0 / np.sqrt(D_BASE))
    br = jnp.zeros((D_OUT,), dtype=jnp.float32)
    return {"x": x, "edge_index": edge_index, "edge_attr": edge_attr, "batch": batch,
            "We": We, "be": be, "W": W, "b": b, "Wr": Wr, "br": br}


def _leaky_relu(v, slope=0.01):
    return jnp.where(v >= 0, v, slope * v)


def reference(x, edge_index, edge_attr, batch, We, be, W, b, Wr, br):
    n = x.shape[0]
    src = edge_index[0]
    dst = edge_index[1]
    # _add_edge_features: scatter-sum edge_attr by source node, project, leaky_relu, concat
    per_node = jax.ops.segment_sum(edge_attr, src, num_segments=n)
    proj = _leaky_relu(per_node @ We + be)
    xcat = jnp.concatenate([x, proj], axis=1)  # [N, 192]
    identity = xcat
    # GCNConv: add self-loops, symmetric normalization
    loop = jnp.arange(n, dtype=src.dtype)
    s2 = jnp.concatenate([src, loop])
    d2 = jnp.concatenate([dst, loop])
    deg = jax.ops.segment_sum(jnp.ones_like(s2, dtype=jnp.float32), d2, num_segments=n)
    dinv = jnp.where(deg > 0, jax.lax.rsqrt(deg), 0.0)
    norm = dinv[s2] * dinv[d2]
    h = xcat @ W  # [N, 128]
    msg = h[s2] * norm[:, None]
    out = jax.ops.segment_sum(msg, d2, num_segments=n) + b
    # residual
    out = out + (identity @ Wr + br)
    # ReLU activation; dropout is identity at eval
    out = jnp.maximum(out, 0.0)
    return out

if __name__ == "__main__":
    import jax
    _d = setup_inputs()
    print(jax.jit(kernel)(*tuple(_d.values())))

</pallas_src>

<mosaic_0001>
#map = affine_map<(d0, d1) -> (0, 0, 0)>
#map1 = affine_map<(d0, d1) -> (0, 0)>
module attributes {stable_mosaic.version = 14 : i64} {
  func.func @_phase_a_body(%arg0: i32, %arg1: i32, %arg2: memref<32x50x200xi32, #tpu.memory_space<hbm>>, %arg3: memref<32x50x200xi32, #tpu.memory_space<hbm>>, %arg4: memref<32x10000x16xf32, #tpu.memory_space<hbm>>, %arg5: memref<200x8xf32, #tpu.memory_space<hbm>>, %arg6: memref<10000x16xf32, #tpu.memory_space<hbm>>, %arg7: memref<10000x8xf32, #tpu.memory_space<hbm>>, %arg8: memref<2x10000x16xf32, #tpu.memory_space<hbm>>, %arg9: memref<2x10000x8xf32, #tpu.memory_space<hbm>>, %arg10: memref<10000x16xf32, #tpu.memory_space<vmem_shared>>, %arg11: memref<10000x8xf32, #tpu.memory_space<vmem_shared>>, %arg12: memref<200xi32, #tpu.memory_space<vmem>>, %arg13: memref<200xi32, #tpu.memory_space<vmem>>, %arg14: memref<200xi32, #tpu.memory_space<vmem>>, %arg15: memref<200xi32, #tpu.memory_space<vmem>>, %arg16: memref<200x16xf32, #tpu.memory_space<vmem>>, %arg17: memref<200x16xf32, #tpu.memory_space<vmem>>, %arg18: memref<200x8xf32, #tpu.memory_space<vmem>>, %arg19: memref<!tpu.dma_semaphore, #tpu.memory_space<semaphore_mem>>, %arg20: memref<!tpu.dma_semaphore, #tpu.memory_space<semaphore_mem>>, %arg21: memref<!tpu.dma_semaphore, #tpu.memory_space<semaphore_mem>>, %arg22: memref<!tpu.dma_semaphore, #tpu.memory_space<semaphore_mem>>) attributes {dimension_semantics = [#tpu.dimension_semantics<core_parallel>, #tpu.dimension_semantics<subcore_parallel>], iteration_bounds = array<i64: 2, 16>, scalar_prefetch = 0 : i64, scratch_operands = 13 : i64, tpu.core_type = #tpu.core_type<sc_vector_subcore>, window_params = [{transform_indices = #map}, {transform_indices = #map}, {transform_indices = #map}, {transform_indices = #map1}, {transform_indices = #map1}, {transform_indices = #map1}, {transform_indices = #map}, {transform_indices = #map}]} {
    %lt3A = arith.constant 10 : i32
    %lt3A_0 = arith.cmpi slt, %arg1, %lt3A : i32
    %convert_element_type3A = arith.extui %lt3A_0 : i1 to i32
    %cond3A = arith.constant 0 : i32
    %cond3A_1 = arith.cmpi ne, %convert_element_type3A, %cond3A : i32
    scf.if %cond3A_1 {
      %mul3A_56 = arith.constant 1000 : i32
      %mul3A_57 = arith.muli %arg1, %mul3A_56 : i32
      "tpu.region"() ({
        %run_scoped3A = tpu.sem_alloc : memref<!tpu.dma_semaphore, #tpu.memory_space<semaphore_mem>>
        %dma_start3A_58 = arith.constant 0 : i32
        %dma_start3A_59 = tpu.memref_slice %arg10[%mul3A_57, %dma_start3A_58] : memref<10000x16xf32, #tpu.memory_space<vmem_shared>> -> memref<1000x16xf32, #tpu.memory_space<vmem_shared>>
        %dma_start3A_60 = arith.constant 0 : i32
        %dma_start3A_61 = tpu.memref_slice %arg6[%mul3A_57, %dma_start3A_60] : memref<10000x16xf32, #tpu.memory_space<hbm>> -> memref<1000x16xf32, #tpu.memory_space<hbm>>
        tpu.enqueue_dma source(%dma_start3A_61 : memref<1000x16xf32, #tpu.memory_space<hbm>>) target(%dma_start3A_59 : memref<1000x16xf32, #tpu.memory_space<vmem_shared>>) target_semaphore(%run_scoped3A : memref<!tpu.dma_semaphore, #tpu.memory_space<semaphore_mem>>)
        %dma_wait3A = arith.constant 0 : i32
        %dma_wait3A_62 = tpu.memref_slice %arg10[%mul3A_57, %dma_wait3A] : memref<10000x16xf32, #tpu.memory_space<vmem_shared>> -> memref<1000x16xf32, #tpu.memory_space<vmem_shared>>
        %dma_wait3A_63 = arith.constant 0 : i32
        %dma_wait3A_64 = tpu.memref_slice %arg6[%mul3A_57, %dma_wait3A_63] : memref<10000x16xf32, #tpu.memory_space<hbm>> -> memref<1000x16xf32, #tpu.memory_space<hbm>>
        tpu.wait_dma2 semaphore(%run_scoped3A : memref<!tpu.dma_semaphore, #tpu.memory_space<semaphore_mem>>) src(%dma_wait3A_64 : memref<1000x16xf32, #tpu.memory_space<hbm>>) dst(%dma_wait3A_62 : memref<1000x16xf32, #tpu.memory_space<vmem_shared>>)
        tpu.yield
      }) : () -> ()
      "tpu.region"() ({
        %run_scoped3A = tpu.sem_alloc : memref<!tpu.dma_semaphore, #tpu.memory_space<semaphore_mem>>
        %dma_start3A_58 = arith.constant 0 : i32
        %dma_start3A_59 = tpu.memref_slice %arg11[%mul3A_57, %dma_start3A_58] : memref<10000x8xf32, #tpu.memory_space<vmem_shared>> -> memref<1000x8xf32, #tpu.memory_space<vmem_shared>>
        %dma_start3A_60 = arith.constant 0 : i32
        %dma_start3A_61 = tpu.memref_slice %arg7[%mul3A_57, %dma_start3A_60] : memref<10000x8xf32, #tpu.memory_space<hbm>> -> memref<1000x8xf32, #tpu.memory_space<hbm>>
        tpu.enqueue_dma source(%dma_start3A_61 : memref<1000x8xf32, #tpu.memory_space<hbm>>) target(%dma_start3A_59 : memref<1000x8xf32, #tpu.memory_space<vmem_shared>>) target_semaphore(%run_scoped3A : memref<!tpu.dma_semaphore, #tpu.memory_space<semaphore_mem>>)
        %dma_wait3A = arith.constant 0 : i32
        %dma_wait3A_62 = tpu.memref_slice %arg11[%mul3A_57, %dma_wait3A] : memref<10000x8xf32, #tpu.memory_space<vmem_shared>> -> memref<1000x8xf32, #tpu.memory_space<vmem_shared>>
        %dma_wait3A_63 = arith.constant 0 : i32
        %dma_wait3A_64 = tpu.memref_slice %arg7[%mul3A_57, %dma_wait3A_63] : memref<10000x8xf32, #tpu.memory_space<hbm>> -> memref<1000x8xf32, #tpu.memory_space<hbm>>
        tpu.wait_dma2 semaphore(%run_scoped3A : memref<!tpu.dma_semaphore, #tpu.memory_space<semaphore_mem>>) src(%dma_wait3A_64 : memref<1000x8xf32, #tpu.memory_space<hbm>>) dst(%dma_wait3A_62 : memref<1000x8xf32, #tpu.memory_space<vmem_shared>>)
        tpu.yield
      }) : () -> ()
    } else {
    }
    %mul3A = arith.constant 16 : i32
    %mul3A_2 = arith.muli %arg0, %mul3A : i32
    %add3A = arith.addi %mul3A_2, %arg1 : i32
    "tpu.region"() ({
      %run_scoped3A = tpu.sem_alloc : memref<!tpu.dma_semaphore, #tpu.memory_space<semaphore_mem>>
      tpu.enqueue_dma source(%arg5 : memref<200x8xf32, #tpu.memory_space<hbm>>) target(%arg18 : memref<200x8xf32, #tpu.memory_space<vmem>>) target_semaphore(%run_scoped3A : memref<!tpu.dma_semaphore, #tpu.memory_space<semaphore_mem>>)
      tpu.wait_dma2 semaphore(%run_scoped3A : memref<!tpu.dma_semaphore, #tpu.memory_space<semaphore_mem>>) src(%arg5 : memref<200x8xf32, #tpu.memory_space<hbm>>) dst(%arg18 : memref<200x8xf32, #tpu.memory_space<vmem>>)
      tpu.yield
    }) : () -> ()
    %barrier3A = arith.constant 0 : index
    tpu.barrier barrier_id(%barrier3A)
    %dma_start3A = arith.constant 0 : i32
    %dma_start3A_3 = arith.constant 0 : i32
    %dma_start3A_4 = tpu.memref_slice %arg2[%add3A, %dma_start3A, %dma_start3A_3] : memref<32x50x200xi32, #tpu.memory_space<hbm>> -> memref<1x1x200xi32, #tpu.memory_space<hbm>>
    %dma_start3A_5 = tpu.memref_squeeze %dma_start3A_4 : memref<1x1x200xi32, #tpu.memory_space<hbm>> -> memref<200xi32, #tpu.memory_space<hbm>>
    %dma_start3A_6 = arith.constant 0 : i32
    %dma_start3A_7 = tpu.memref_slice %arg2[%add3A, %dma_start3A, %dma_start3A_6] : memref<32x50x200xi32, #tpu.memory_space<hbm>> -> memref<1x1x200xi32, #tpu.memory_space<hbm>>
    %dma_start3A_8 = tpu.memref_squeeze %dma_start3A_7 : memref<1x1x200xi32, #tpu.memory_space<hbm>> -> memref<200xi32, #tpu.memory_space<hbm>>
    tpu.enqueue_dma source(%dma_start3A_8 : memref<200xi32, #tpu.memory_space<hbm>>) target(%arg12 : memref<200xi32, #tpu.memory_space<vmem>>) target_semaphore(%arg21 : memref<!tpu.dma_semaphore, #tpu.memory_space<semaphore_mem>>)
    %dma_start3A_9 = arith.constant 0 : i32
    %dma_start3A_10 = arith.constant 0 : i32
    %dma_start3A_11 = tpu.memref_slice %arg3[%add3A, %dma_start3A_9, %dma_start3A_10] : memref<32x50x200xi32, #tpu.memory_space<hbm>> -> memref<1x1x200xi32, #tpu.memory_space<hbm>>
    %dma_start3A_12 = tpu.memref_squeeze %dma_start3A_11 : memref<1x1x200xi32, #tpu.memory_space<hbm>> -> memref<200xi32, #tpu.memory_space<hbm>>
    %dma_start3A_13 = arith.constant 0 : i32
    %dma_start3A_14 = tpu.memref_slice %arg3[%add3A, %dma_start3A_9, %dma_start3A_13] : memref<32x50x200xi32, #tpu.memory_space<hbm>> -> memref<1x1x200xi32, #tpu.memory_space<hbm>>
    %dma_start3A_15 = tpu.memref_squeeze %dma_start3A_14 : memref<1x1x200xi32, #tpu.memory_space<hbm>> -> memref<200xi32, #tpu.memory_space<hbm>>
    tpu.enqueue_dma source(%dma_start3A_15 : memref<200xi32, #tpu.memory_space<hbm>>) target(%arg14 : memref<200xi32, #tpu.memory_space<vmem>>) target_semaphore(%arg21 : memref<!tpu.dma_semaphore, #tpu.memory_space<semaphore_mem>>)
    %dma_start3A_16 = arith.constant 1 : i32
    %dma_start3A_17 = arith.constant 0 : i32
    %dma_start3A_18 = tpu.memref_slice %arg2[%add3A, %dma_start3A_16, %dma_start3A_17] : memref<32x50x200xi32, #tpu.memory_space<hbm>> -> memref<1x1x200xi32, #tpu.memory_space<hbm>>
    %dma_start3A_19 = tpu.memref_squeeze %dma_start3A_18 : memref<1x1x200xi32, #tpu.memory_space<hbm>> -> memref<200xi32, #tpu.memory_space<hbm>>
    %dma_start3A_20 = arith.constant 0 : i32
    %dma_start3A_21 = tpu.memref_slice %arg2[%add3A, %dma_start3A_16, %dma_start3A_20] : memref<32x50x200xi32, #tpu.memory_space<hbm>> -> memref<1x1x200xi32, #tpu.memory_space<hbm>>
    %dma_start3A_22 = tpu.memref_squeeze %dma_start3A_21 : memref<1x1x200xi32, #tpu.memory_space<hbm>> -> memref<200xi32, #tpu.memory_space<hbm>>
    tpu.enqueue_dma source(%dma_start3A_22 : memref<200xi32, #tpu.memory_space<hbm>>) target(%arg13 : memref<200xi32, #tpu.memory_space<vmem>>) target_semaphore(%arg22 : memref<!tpu.dma_semaphore, #tpu.memory_space<semaphore_mem>>)
    %dma_start3A_23 = arith.constant 1 : i32
    %dma_start3A_24 = arith.constant 0 : i32
    %dma_start3A_25 = tpu.memref_slice %arg3[%add3A, %dma_start3A_23, %dma_start3A_24] : memref<32x50x200xi32, #tpu.memory_space<hbm>> -> memref<1x1x200xi32, #tpu.memory_space<hbm>>
    %dma_start3A_26 = tpu.memref_squeeze %dma_start3A_25 : memref<1x1x200xi32, #tpu.memory_space<hbm>> -> memref<200xi32, #tpu.memory_space<hbm>>
    %dma_start3A_27 = arith.constant 0 : i32
    %dma_start3A_28 = tpu.memref_slice %arg3[%add3A, %dma_start3A_23, %dma_start3A_27] : memref<32x50x200xi32, #tpu.memory_space<hbm>> -> memref<1x1x200xi32, #tpu.memory_space<hbm>>
    %dma_start3A_29 = tpu.memref_squeeze %dma_start3A_28 : memref<1x1x200xi32, #tpu.memory_space<hbm>> -> memref<200xi32, #tpu.memory_space<hbm>>
    tpu.enqueue_dma source(%dma_start3A_29 : memref<200xi32, #tpu.memory_space<hbm>>) target(%arg15 : memref<200xi32, #tpu.memory_space<vmem>>) target_semaphore(%arg22 : memref<!tpu.dma_semaphore, #tpu.memory_space<semaphore_mem>>)
    %dma_start3A_30 = arith.constant 0 : i32
    %dma_start3A_31 = arith.constant 0 : i32
    %dma_start3A_32 = tpu.memref_slice %arg4[%add3A, %dma_start3A_30, %dma_start3A_31] : memref<32x10000x16xf32, #tpu.memory_space<hbm>> -> memref<1x200x16xf32, #tpu.memory_space<hbm>>
    %dma_start3A_33 = tpu.memref_squeeze %dma_start3A_32 : memref<1x200x16xf32, #tpu.memory_space<hbm>> -> memref<200x16xf32, #tpu.memory_space<hbm>>
    %dma_start3A_34 = arith.constant 0 : i32
    %dma_start3A_35 = arith.constant 0 : i32
    %dma_start3A_36 = tpu.memref_slice %arg4[%add3A, %dma_start3A_34, %dma_start3A_35] : memref<32x10000x16xf32, #tpu.memory_space<hbm>> -> memref<1x200x16xf32, #tpu.memory_space<hbm>>
    %dma_start3A_37 = tpu.memref_squeeze %dma_start3A_36 : memref<1x200x16xf32, #tpu.memory_space<hbm>> -> memref<200x16xf32, #tpu.memory_space<hbm>>
    tpu.enqueue_dma source(%dma_start3A_37 : memref<200x16xf32, #tpu.memory_space<hbm>>) target(%arg16 : memref<200x16xf32, #tpu.memory_space<vmem>>) target_semaphore(%arg19 : memref<!tpu.dma_semaphore, #tpu.memory_space<semaphore_mem>>)
    %dma_start3A_38 = arith.constant 200 : i32
    %dma_start3A_39 = arith.constant 0 : i32
    %dma_start3A_40 = tpu.memref_slice %arg4[%add3A, %dma_start3A_38, %dma_start3A_39] : memref<32x10000x16xf32, #tpu.memory_space<hbm>> -> memref<1x200x16xf32, #tpu.memory_space<hbm>>
    %dma_start3A_41 = tpu.memref_squeeze %dma_start3A_40 : memref<1x200x16xf32, #tpu.memory_space<hbm>> -> memref<200x16xf32, #tpu.memory_space<hbm>>
    %dma_start3A_42 = arith.constant 200 : i32
    %dma_start3A_43 = arith.constant 0 : i32
    %dma_start3A_44 = tpu.memref_slice %arg4[%add3A, %dma_start3A_42, %dma_start3A_43] : memref<32x10000x16xf32, #tpu.memory_space<hbm>> -> memref<1x200x16xf32, #tpu.memory_space<hbm>>
    %dma_start3A_45 = tpu.memref_squeeze %dma_start3A_44 : memref<1x200x16xf32, #tpu.memory_space<hbm>> -> memref<200x16xf32, #tpu.memory_space<hbm>>
    tpu.enqueue_dma source(%dma_start3A_45 : memref<200x16xf32, #tpu.memory_space<hbm>>) target(%arg17 : memref<200x16xf32, #tpu.memory_space<vmem>>) target_semaphore(%arg20 : memref<!tpu.dma_semaphore, #tpu.memory_space<semaphore_mem>>)
    %scan3A = arith.constant 0 : i32
    %scan3A_46 = arith.constant 25 : i32
    %scan3A_47 = arith.addi %scan3A, %scan3A_46 : i32
    %scan3A_48 = arith.constant 1 : i32
    scf.for %scan3A_56 = %scan3A to %scan3A_47 step %scan3A_48  : i32 {
      %mul3A_57 = arith.constant 2 : i32
      %mul3A_58 = arith.muli %scan3A_56, %mul3A_57 : i32
      %add3A_59 = arith.constant 0 : i32
      %add3A_60 = arith.addi %add3A_59, %mul3A_58 : i32
      %mul3A_61 = arith.constant 200 : i32
      %mul3A_62 = arith.muli %add3A_60, %mul3A_61 : i32
      %multiple_of3A = tpu.assume_multiple %mul3A_62, 8 : i32
      %dma_wait3A = arith.constant 0 : i32
      %dma_wait3A_63 = tpu.memref_slice %arg4[%add3A, %multiple_of3A, %dma_wait3A] : memref<32x10000x16xf32, #tpu.memory_space<hbm>> -> memref<1x200x16xf32, #tpu.memory_space<hbm>>
      %dma_wait3A_64 = tpu.memref_squeeze %dma_wait3A_63 : memref<1x200x16xf32, #tpu.memory_space<hbm>> -> memref<200x16xf32, #tpu.memory_space<hbm>>
      %dma_wait3A_65 = arith.constant 0 : i32
      %dma_wait3A_66 = tpu.memref_slice %arg4[%add3A, %multiple_of3A, %dma_wait3A_65] : memref<32x10000x16xf32, #tpu.memory_space<hbm>> -> memref<1x200x16xf32, #tpu.memory_space<hbm>>
      %dma_wait3A_67 = tpu.memref_squeeze %dma_wait3A_66 : memref<1x200x16xf32, #tpu.memory_space<hbm>> -> memref<200x16xf32, #tpu.memory_space<hbm>>
      tpu.wait_dma2 semaphore(%arg19 : memref<!tpu.dma_semaphore, #tpu.memory_space<semaphore_mem>>) src(%dma_wait3A_67 : memref<200x16xf32, #tpu.memory_space<hbm>>) dst(%arg16 : memref<200x16xf32, #tpu.memory_space<vmem>>)
      %dma_wait3A_68 = arith.constant 0 : i32
      %dma_wait3A_69 = tpu.memref_slice %arg2[%add3A, %add3A_60, %dma_wait3A_68] : memref<32x50x200xi32, #tpu.memory_space<hbm>> -> memref<1x1x200xi32, #tpu.memory_space<hbm>>
      %dma_wait3A_70 = tpu.memref_squeeze %dma_wait3A_69 : memref<1x1x200xi32, #tpu.memory_space<hbm>> -> memref<200xi32, #tpu.memory_space<hbm>>
      %dma_wait3A_71 = arith.constant 0 : i32
      %dma_wait3A_72 = tpu.memref_slice %arg2[%add3A, %add3A_60, %dma_wait3A_71] : memref<32x50x200xi32, #tpu.memory_space<hbm>> -> memref<1x1x200xi32, #tpu.memory_space<hbm>>
      %dma_wait3A_73 = tpu.memref_squeeze %dma_wait3A_72 : memref<1x1x200xi32, #tpu.memory_space<hbm>> -> memref<200xi32, #tpu.memory_space<hbm>>
      tpu.wait_dma2 semaphore(%arg21 : memref<!tpu.dma_semaphore, #tpu.memory_space<semaphore_mem>>) src(%dma_wait3A_73 : memref<200xi32, #tpu.memory_space<hbm>>) dst(%arg12 : memref<200xi32, #tpu.memory_space<vmem>>)
      %dma_wait3A_74 = arith.constant 0 : i32
      %dma_wait3A_75 = tpu.memref_slice %arg3[%add3A, %add3A_60, %dma_wait3A_74] : memref<32x50x200xi32, #tpu.memory_space<hbm>> -> memref<1x1x200xi32, #tpu.memory_space<hbm>>
      %dma_wait3A_76 = tpu.memref_squeeze %dma_wait3A_75 : memref<1x1x200xi32, #tpu.memory_space<hbm>> -> memref<200xi32, #tpu.memory_space<hbm>>
      %dma_wait3A_77 = arith.constant 0 : i32
      %dma_wait3A_78 = tpu.memref_slice %arg3[%add3A, %add3A_60, %dma_wait3A_77] : memref<32x50x200xi32, #tpu.memory_space<hbm>> -> memref<1x1x200xi32, #tpu.memory_space<hbm>>
      %dma_wait3A_79 = tpu.memref_squeeze %dma_wait3A_78 : memref<1x1x200xi32, #tpu.memory_space<hbm>> -> memref<200xi32, #tpu.memory_space<hbm>>
      tpu.wait_dma2 semaphore(%arg21 : memref<!tpu.dma_semaphore, #tpu.memory_space<semaphore_mem>>) src(%dma_wait3A_79 : memref<200xi32, #tpu.memory_space<hbm>>) dst(%arg14 : memref<200xi32, #tpu.memory_space<vmem>>)
      "tpu.region"() ({
        %run_scoped3A = tpu.sem_alloc : memref<!tpu.dma_semaphore, #tpu.memory_space<semaphore_mem>>
        %dma_start3A_118 = arith.constant 0 : i32
        %dma_start3A_119 = arith.constant 0 : i32
        %dma_start3A_120 = tpu.memref_slice %arg10[%dma_start3A_118, %dma_start3A_119] : memref<10000x16xf32, #tpu.memory_space<vmem_shared>> -> memref<10000x16xf32, #tpu.memory_space<vmem_shared>>
        tpu.enqueue_indirect_dma source(%arg16 : memref<200x16xf32, #tpu.memory_space<vmem>>) target(%dma_start3A_120 : memref<10000x16xf32, #tpu.memory_space<vmem_shared>>) offsets(%arg12 : memref<200xi32, #tpu.memory_space<vmem>>) semaphore(%run_scoped3A : memref<!tpu.dma_semaphore, #tpu.memory_space<semaphore_mem>>) {add = true}
        %dma_wait3A_121 = arith.constant 0 : i32
        %dma_wait3A_122 = arith.constant 0 : i32
        %dma_wait3A_123 = tpu.memref_slice %arg10[%dma_wait3A_121, %dma_wait3A_122] : memref<10000x16xf32, #tpu.memory_space<vmem_shared>> -> memref<10000x16xf32, #tpu.memory_space<vmem_shared>>
        tpu.wait_indirect_dma semaphore(%run_scoped3A : memref<!tpu.dma_semaphore, #tpu.memory_space<semaphore_mem>>) src(%arg16 : memref<200x16xf32, #tpu.memory_space<vmem>>) dst(%dma_wait3A_123 : memref<10000x16xf32, #tpu.memory_space<vmem_shared>>)
        tpu.yield
      }) : () -> ()
      "tpu.region"() ({
        %run_scoped3A = tpu.sem_alloc : memref<!tpu.dma_semaphore, #tpu.memory_space<semaphore_mem>>
        %dma_start3A_118 = arith.constant 0 : i32
        %dma_start3A_119 = arith.constant 0 : i32
        %dma_start3A_120 = tpu.memref_slice %arg11[%dma_start3A_118, %dma_start3A_119] : memref<10000x8xf32, #tpu.memory_space<vmem_shared>> -> memref<10000x8xf32, #tpu.memory_space<vmem_shared>>
        tpu.enqueue_indirect_dma source(%arg18 : memref<200x8xf32, #tpu.memory_space<vmem>>) target(%dma_start3A_120 : memref<10000x8xf32, #tpu.memory_space<vmem_shared>>) offsets(%arg14 : memref<200xi32, #tpu.memory_space<vmem>>) semaphore(%run_scoped3A : memref<!tpu.dma_semaphore, #tpu.memory_space<semaphore_mem>>) {add = true}
        %dma_wait3A_121 = arith.constant 0 : i32
        %dma_wait3A_122 = arith.constant 0 : i32
        %dma_wait3A_123 = tpu.memref_slice %arg11[%dma_wait3A_121, %dma_wait3A_122] : memref<10000x8xf32, #tpu.memory_space<vmem_shared>> -> memref<10000x8xf32, #tpu.memory_space<vmem_shared>>
        tpu.wait_indirect_dma semaphore(%run_scoped3A : memref<!tpu.dma_semaphore, #tpu.memory_space<semaphore_mem>>) src(%arg18 : memref<200x8xf32, #tpu.memory_space<vmem>>) dst(%dma_wait3A_123 : memref<10000x8xf32, #tpu.memory_space<vmem_shared>>)
        tpu.yield
      }) : () -> ()
      %add3A_80 = arith.constant 2 : i32
      %add3A_81 = arith.addi %add3A_60, %add3A_80 : i32
      %lt3A_82 = arith.constant 50 : i32
      %lt3A_83 = arith.cmpi slt, %add3A_81, %lt3A_82 : i32
      %convert_element_type3A_84 = arith.extui %lt3A_83 : i1 to i32
      %cond3A_85 = arith.constant 0 : i32
      %cond3A_86 = arith.cmpi ne, %convert_element_type3A_84, %cond3A_85 : i32
      scf.if %cond3A_86 {
        %add3A_118 = arith.constant 2 : i32
        %add3A_119 = arith.addi %add3A_60, %add3A_118 : i32
        %dma_start3A_120 = arith.constant 0 : i32
        %dma_start3A_121 = tpu.memref_slice %arg2[%add3A, %add3A_119, %dma_start3A_120] : memref<32x50x200xi32, #tpu.memory_space<hbm>> -> memref<1x1x200xi32, #tpu.memory_space<hbm>>
        %dma_start3A_122 = tpu.memref_squeeze %dma_start3A_121 : memref<1x1x200xi32, #tpu.memory_space<hbm>> -> memref<200xi32, #tpu.memory_space<hbm>>
        %dma_start3A_123 = arith.constant 0 : i32
        %dma_start3A_124 = tpu.memref_slice %arg2[%add3A, %add3A_119, %dma_start3A_123] : memref<32x50x200xi32, #tpu.memory_space<hbm>> -> memref<1x1x200xi32, #tpu.memory_space<hbm>>
        %dma_start3A_125 = tpu.memref_squeeze %dma_start3A_124 : memref<1x1x200xi32, #tpu.memory_space<hbm>> -> memref<200xi32, #tpu.memory_space<hbm>>
        tpu.enqueue_dma source(%dma_start3A_125 : memref<200xi32, #tpu.memory_space<hbm>>) target(%arg12 : memref<200xi32, #tpu.memory_space<vmem>>) target_semaphore(%arg21 : memref<!tpu.dma_semaphore, #tpu.memory_space<semaphore_mem>>)
        %add3A_126 = arith.constant 2 : i32
        %add3A_127 = arith.addi %add3A_60, %add3A_126 : i32
        %dma_start3A_128 = arith.constant 0 : i32
        %dma_start3A_129 = tpu.memref_slice %arg3[%add3A, %add3A_127, %dma_start3A_128] : memref<32x50x200xi32, #tpu.memory_space<hbm>> -> memref<1x1x200xi32, #tpu.memory_space<hbm>>
        %dma_start3A_130 = tpu.memref_squeeze %dma_start3A_129 : memref<1x1x200xi32, #tpu.memory_space<hbm>> -> memref<200xi32, #tpu.memory_space<hbm>>
        %dma_start3A_131 = arith.constant 0 : i32
        %dma_start3A_132 = tpu.memref_slice %arg3[%add3A, %add3A_127, %dma_start3A_131] : memref<32x50x200xi32, #tpu.memory_space<hbm>> -> memref<1x1x200xi32, #tpu.memory_space<hbm>>
        %dma_start3A_133 = tpu.memref_squeeze %dma_start3A_132 : memref<1x1x200xi32, #tpu.memory_space<hbm>> -> memref<200xi32, #tpu.memory_space<hbm>>
        tpu.enqueue_dma source(%dma_start3A_133 : memref<200xi32, #tpu.memory_space<hbm>>) target(%arg14 : memref<200xi32, #tpu.memory_space<vmem>>) target_semaphore(%arg21 : memref<!tpu.dma_semaphore, #tpu.memory_space<semaphore_mem>>)
        %add3A_134 = arith.constant 400 : i32
        %add3A_135 = arith.addi %multiple_of3A, %add3A_134 : i32
        %dma_start3A_136 = arith.constant 0 : i32
        %dma_start3A_137 = tpu.memref_slice %arg4[%add3A, %add3A_135, %dma_start3A_136] : memref<32x10000x16xf32, #tpu.memory_space<hbm>> -> memref<1x200x16xf32, #tpu.memory_space<hbm>>
        %dma_start3A_138 = tpu.memref_squeeze %dma_start3A_137 : memref<1x200x16xf32, #tpu.memory_space<hbm>> -> memref<200x16xf32, #tpu.memory_space<hbm>>
        %dma_start3A_139 = arith.constant 0 : i32
        %dma_start3A_140 = tpu.memref_slice %arg4[%add3A, %add3A_135, %dma_start3A_139] : memref<32x10000x16xf32, #tpu.memory_space<hbm>> -> memref<1x200x16xf32, #tpu.memory_space<hbm>>
        %dma_start3A_141 = tpu.memref_squeeze %dma_start3A_140 : memref<1x200x16xf32, #tpu.memory_space<hbm>> -> memref<200x16xf32, #tpu.memory_space<hbm>>
        tpu.enqueue_dma source(%dma_start3A_141 : memref<200x16xf32, #tpu.memory_space<hbm>>) target(%arg16 : memref<200x16xf32, #tpu.memory_space<vmem>>) target_semaphore(%arg19 : memref<!tpu.dma_semaphore, #tpu.memory_space<semaphore_mem>>)
      } else {
      }
      %add3A_87 = arith.constant 200 : i32
      %add3A_88 = arith.addi %multiple_of3A, %add3A_87 : i32
      %dma_wait3A_89 = arith.constant 0 : i32
      %dma_wait3A_90 = tpu.memref_slice %arg4[%add3A, %add3A_88, %dma_wait3A_89] : memref<32x10000x16xf32, #tpu.memory_space<hbm>> -> memref<1x200x16xf32, #tpu.memory_space<hbm>>
      %dma_wait3A_91 = tpu.memref_squeeze %dma_wait3A_90 : memref<1x200x16xf32, #tpu.memory_space<hbm>> -> memref<200x16xf32, #tpu.memory_space<hbm>>
      %dma_wait3A_92 = arith.constant 0 : i32
      %dma_wait3A_93 = tpu.memref_slice %arg4[%add3A, %add3A_88, %dma_wait3A_92] : memref<32x10000x16xf32, #tpu.memory_space<hbm>> -> memref<1x200x16xf32, #tpu.memory_space<hbm>>
      %dma_wait3A_94 = tpu.memref_squeeze %dma_wait3A_93 : memref<1x200x16xf32, #tpu.memory_space<hbm>> -> memref<200x16xf32, #tpu.memory_space<hbm>>
      tpu.wait_dma2 semaphore(%arg20 : memref<!tpu.dma_semaphore, #tpu.memory_space<semaphore_mem>>) src(%dma_wait3A_94 : memref<200x16xf32, #tpu.memory_space<hbm>>) dst(%arg17 : memref<200x16xf32, #tpu.memory_space<vmem>>)
      %add3A_95 = arith.constant 1 : i32
      %add3A_96 = arith.addi %add3A_60, %add3A_95 : i32
      %dma_wait3A_97 = arith.constant 0 : i32
      %dma_wait3A_98 = tpu.memref_slice %arg2[%add3A, %add3A_96, %dma_wait3A_97] : memref<32x50x200xi32, #tpu.memory_space<hbm>> -> memref<1x1x200xi32, #tpu.memory_space<hbm>>
      %dma_wait3A_99 = tpu.memref_squeeze %dma_wait3A_98 : memref<1x1x200xi32, #tpu.memory_space<hbm>> -> memref<200xi32, #tpu.memory_space<hbm>>
      %dma_wait3A_100 = arith.constant 0 : i32
      %dma_wait3A_101 = tpu.memref_slice %arg2[%add3A, %add3A_96, %dma_wait3A_100] : memref<32x50x200xi32, #tpu.memory_space<hbm>> -> memref<1x1x200xi32, #tpu.memory_space<hbm>>
      %dma_wait3A_102 = tpu.memref_squeeze %dma_wait3A_101 : memref<1x1x200xi32, #tpu.memory_space<hbm>> -> memref<200xi32, #tpu.memory_space<hbm>>
      tpu.wait_dma2 semaphore(%arg22 : memref<!tpu.dma_semaphore, #tpu.memory_space<semaphore_mem>>) src(%dma_wait3A_102 : memref<200xi32, #tpu.memory_space<hbm>>) dst(%arg13 : memref<200xi32, #tpu.memory_space<vmem>>)
      %add3A_103 = arith.constant 1 : i32
      %add3A_104 = arith.addi %add3A_60, %add3A_103 : i32
      %dma_wait3A_105 = arith.constant 0 : i32
      %dma_wait3A_106 = tpu.memref_slice %arg3[%add3A, %add3A_104, %dma_wait3A_105] : memref<32x50x200xi32, #tpu.memory_space<hbm>> -> memref<1x1x200xi32, #tpu.memory_space<hbm>>
      %dma_wait3A_107 = tpu.memref_squeeze %dma_wait3A_106 : memref<1x1x200xi32, #tpu.memory_space<hbm>> -> memref<200xi32, #tpu.memory_space<hbm>>
      %dma_wait3A_108 = arith.constant 0 : i32
      %dma_wait3A_109 = tpu.memref_slice %arg3[%add3A, %add3A_104, %dma_wait3A_108] : memref<32x50x200xi32, #tpu.memory_space<hbm>> -> memref<1x1x200xi32, #tpu.memory_space<hbm>>
      %dma_wait3A_110 = tpu.memref_squeeze %dma_wait3A_109 : memref<1x1x200xi32, #tpu.memory_space<hbm>> -> memref<200xi32, #tpu.memory_space<hbm>>
      tpu.wait_dma2 semaphore(%arg22 : memref<!tpu.dma_semaphore, #tpu.memory_space<semaphore_mem>>) src(%dma_wait3A_110 : memref<200xi32, #tpu.memory_space<hbm>>) dst(%arg15 : memref<200xi32, #tpu.memory_space<vmem>>)
      "tpu.region"() ({
        %run_scoped3A = tpu.sem_alloc : memref<!tpu.dma_semaphore, #tpu.memory_space<semaphore_mem>>
        %dma_start3A_118 = arith.constant 0 : i32
        %dma_start3A_119 = arith.constant 0 : i32
        %dma_start3A_120 = tpu.memref_slice %arg10[%dma_start3A_118, %dma_start3A_119] : memref<10000x16xf32, #tpu.memory_space<vmem_shared>> -> memref<10000x16xf32, #tpu.memory_space<vmem_shared>>
        tpu.enqueue_indirect_dma source(%arg17 : memref<200x16xf32, #tpu.memory_space<vmem>>) target(%dma_start3A_120 : memref<10000x16xf32, #tpu.memory_space<vmem_shared>>) offsets(%arg13 : memref<200xi32, #tpu.memory_space<vmem>>) semaphore(%run_scoped3A : memref<!tpu.dma_semaphore, #tpu.memory_space<semaphore_mem>>) {add = true}
        %dma_wait3A_121 = arith.constant 0 : i32
        %dma_wait3A_122 = arith.constant 0 : i32
        %dma_wait3A_123 = tpu.memref_slice %arg10[%dma_wait3A_121, %dma_wait3A_122] : memref<10000x16xf32, #tpu.memory_space<vmem_shared>> -> memref<10000x16xf32, #tpu.memory_space<vmem_shared>>
        tpu.wait_indirect_dma semaphore(%run_scoped3A : memref<!tpu.dma_semaphore, #tpu.memory_space<semaphore_mem>>) src(%arg17 : memref<200x16xf32, #tpu.memory_space<vmem>>) dst(%dma_wait3A_123 : memref<10000x16xf32, #tpu.memory_space<vmem_shared>>)
        tpu.yield
      }) : () -> ()
      "tpu.region"() ({
        %run_scoped3A = tpu.sem_alloc : memref<!tpu.dma_semaphore, #tpu.memory_space<semaphore_mem>>
        %dma_start3A_118 = arith.constant 0 : i32
        %dma_start3A_119 = arith.constant 0 : i32
        %dma_start3A_120 = tpu.memref_slice %arg11[%dma_start3A_118, %dma_start3A_119] : memref<10000x8xf32, #tpu.memory_space<vmem_shared>> -> memref<10000x8xf32, #tpu.memory_space<vmem_shared>>
        tpu.enqueue_indirect_dma source(%arg18 : memref<200x8xf32, #tpu.memory_space<vmem>>) target(%dma_start3A_120 : memref<10000x8xf32, #tpu.memory_space<vmem_shared>>) offsets(%arg15 : memref<200xi32, #tpu.memory_space<vmem>>) semaphore(%run_scoped3A : memref<!tpu.dma_semaphore, #tpu.memory_space<semaphore_mem>>) {add = true}
        %dma_wait3A_121 = arith.constant 0 : i32
        %dma_wait3A_122 = arith.constant 0 : i32
        %dma_wait3A_123 = tpu.memref_slice %arg11[%dma_wait3A_121, %dma_wait3A_122] : memref<10000x8xf32, #tpu.memory_space<vmem_shared>> -> memref<10000x8xf32, #tpu.memory_space<vmem_shared>>
        tpu.wait_indirect_dma semaphore(%run_scoped3A : memref<!tpu.dma_semaphore, #tpu.memory_space<semaphore_mem>>) src(%arg18 : memref<200x8xf32, #tpu.memory_space<vmem>>) dst(%dma_wait3A_123 : memref<10000x8xf32, #tpu.memory_space<vmem_shared>>)
        tpu.yield
      }) : () -> ()
      %add3A_111 = arith.constant 3 : i32
      %add3A_112 = arith.addi %add3A_60, %add3A_111 : i32
      %lt3A_113 = arith.constant 50 : i32
      %lt3A_114 = arith.cmpi slt, %add3A_112, %lt3A_113 : i32
      %convert_element_type3A_115 = arith.extui %lt3A_114 : i1 to i32
      %cond3A_116 = arith.constant 0 : i32
      %cond3A_117 = arith.cmpi ne, %convert_element_type3A_115, %cond3A_116 : i32
      scf.if %cond3A_117 {
        %add3A_118 = arith.constant 3 : i32
        %add3A_119 = arith.addi %add3A_60, %add3A_118 : i32
        %dma_start3A_120 = arith.constant 0 : i32
        %dma_start3A_121 = tpu.memref_slice %arg2[%add3A, %add3A_119, %dma_start3A_120] : memref<32x50x200xi32, #tpu.memory_space<hbm>> -> memref<1x1x200xi32, #tpu.memory_space<hbm>>
        %dma_start3A_122 = tpu.memref_squeeze %dma_start3A_121 : memref<1x1x200xi32, #tpu.memory_space<hbm>> -> memref<200xi32, #tpu.memory_space<hbm>>
        %dma_start3A_123 = arith.constant 0 : i32
        %dma_start3A_124 = tpu.memref_slice %arg2[%add3A, %add3A_119, %dma_start3A_123] : memref<32x50x200xi32, #tpu.memory_space<hbm>> -> memref<1x1x200xi32, #tpu.memory_space<hbm>>
        %dma_start3A_125 = tpu.memref_squeeze %dma_start3A_124 : memref<1x1x200xi32, #tpu.memory_space<hbm>> -> memref<200xi32, #tpu.memory_space<hbm>>
        tpu.enqueue_dma source(%dma_start3A_125 : memref<200xi32, #tpu.memory_space<hbm>>) target(%arg13 : memref<200xi32, #tpu.memory_space<vmem>>) target_semaphore(%arg22 : memref<!tpu.dma_semaphore, #tpu.memory_space<semaphore_mem>>)
        %add3A_126 = arith.constant 3 : i32
        %add3A_127 = arith.addi %add3A_60, %add3A_126 : i32
        %dma_start3A_128 = arith.constant 0 : i32
        %dma_start3A_129 = tpu.memref_slice %arg3[%add3A, %add3A_127, %dma_start3A_128] : memref<32x50x200xi32, #tpu.memory_space<hbm>> -> memref<1x1x200xi32, #tpu.memory_space<hbm>>
        %dma_start3A_130 = tpu.memref_squeeze %dma_start3A_129 : memref<1x1x200xi32, #tpu.memory_space<hbm>> -> memref<200xi32, #tpu.memory_space<hbm>>
        %dma_start3A_131 = arith.constant 0 : i32
        %dma_start3A_132 = tpu.memref_slice %arg3[%add3A, %add3A_127, %dma_start3A_131] : memref<32x50x200xi32, #tpu.memory_space<hbm>> -> memref<1x1x200xi32, #tpu.memory_space<hbm>>
        %dma_start3A_133 = tpu.memref_squeeze %dma_start3A_132 : memref<1x1x200xi32, #tpu.memory_space<hbm>> -> memref<200xi32, #tpu.memory_space<hbm>>
        tpu.enqueue_dma source(%dma_start3A_133 : memref<200xi32, #tpu.memory_space<hbm>>) target(%arg15 : memref<200xi32, #tpu.memory_space<vmem>>) target_semaphore(%arg22 : memref<!tpu.dma_semaphore, #tpu.memory_space<semaphore_mem>>)
        %add3A_134 = arith.constant 600 : i32
        %add3A_135 = arith.addi %multiple_of3A, %add3A_134 : i32
        %dma_start3A_136 = arith.constant 0 : i32
        %dma_start3A_137 = tpu.memref_slice %arg4[%add3A, %add3A_135, %dma_start3A_136] : memref<32x10000x16xf32, #tpu.memory_space<hbm>> -> memref<1x200x16xf32, #tpu.memory_space<hbm>>
        %dma_start3A_138 = tpu.memref_squeeze %dma_start3A_137 : memref<1x200x16xf32, #tpu.memory_space<hbm>> -> memref<200x16xf32, #tpu.memory_space<hbm>>
        %dma_start3A_139 = arith.constant 0 : i32
        %dma_start3A_140 = tpu.memref_slice %arg4[%add3A, %add3A_135, %dma_start3A_139] : memref<32x10000x16xf32, #tpu.memory_space<hbm>> -> memref<1x200x16xf32, #tpu.memory_space<hbm>>
        %dma_start3A_141 = tpu.memref_squeeze %dma_start3A_140 : memref<1x200x16xf32, #tpu.memory_space<hbm>> -> memref<200x16xf32, #tpu.memory_space<hbm>>
        tpu.enqueue_dma source(%dma_start3A_141 : memref<200x16xf32, #tpu.memory_space<hbm>>) target(%arg17 : memref<200x16xf32, #tpu.memory_space<vmem>>) target_semaphore(%arg20 : memref<!tpu.dma_semaphore, #tpu.memory_space<semaphore_mem>>)
      } else {
      }
    }
    %scan3A_49 = arith.constant 25 : i32
    %barrier3A_50 = arith.constant 0 : index
    tpu.barrier barrier_id(%barrier3A_50)
    %lt3A_51 = arith.constant 10 : i32
    %lt3A_52 = arith.cmpi slt, %arg1, %lt3A_51 : i32
    %convert_element_type3A_53 = arith.extui %lt3A_52 : i1 to i32
    %cond3A_54 = arith.constant 0 : i32
    %cond3A_55 = arith.cmpi ne, %convert_element_type3A_53, %cond3A_54 : i32
    scf.if %cond3A_55 {
      %mul3A_56 = arith.constant 1000 : i32
      %mul3A_57 = arith.muli %arg1, %mul3A_56 : i32
      "tpu.region"() ({
        %run_scoped3A = tpu.sem_alloc : memref<!tpu.dma_semaphore, #tpu.memory_space<semaphore_mem>>
        %dma_start3A_58 = arith.constant 0 : i32
        %dma_start3A_59 = tpu.memref_slice %arg8[%arg0, %mul3A_57, %dma_start3A_58] : memref<2x10000x16xf32, #tpu.memory_space<hbm>> -> memref<1x1000x16xf32, #tpu.memory_space<hbm>>
        %dma_start3A_60 = tpu.memref_squeeze %dma_start3A_59 : memref<1x1000x16xf32, #tpu.memory_space<hbm>> -> memref<1000x16xf32, #tpu.memory_space<hbm>>
        %dma_start3A_61 = arith.constant 0 : i32
        %dma_start3A_62 = tpu.memref_slice %arg10[%mul3A_57, %dma_start3A_61] : memref<10000x16xf32, #tpu.memory_space<vmem_shared>> -> memref<1000x16xf32, #tpu.memory_space<vmem_shared>>
        tpu.enqueue_dma source(%dma_start3A_62 : memref<1000x16xf32, #tpu.memory_space<vmem_shared>>) target(%dma_start3A_60 : memref<1000x16xf32, #tpu.memory_space<hbm>>) target_semaphore(%run_scoped3A : memref<!tpu.dma_semaphore, #tpu.memory_space<semaphore_mem>>)
        %dma_wait3A = arith.constant 0 : i32
        %dma_wait3A_63 = tpu.memref_slice %arg8[%arg0, %mul3A_57, %dma_wait3A] : memref<2x10000x16xf32, #tpu.memory_space<hbm>> -> memref<1x1000x16xf32, #tpu.memory_space<hbm>>
        %dma_wait3A_64 = tpu.memref_squeeze %dma_wait3A_63 : memref<1x1000x16xf32, #tpu.memory_space<hbm>> -> memref<1000x16xf32, #tpu.memory_space<hbm>>
        %dma_wait3A_65 = arith.constant 0 : i32
        %dma_wait3A_66 = tpu.memref_slice %arg10[%mul3A_57, %dma_wait3A_65] : memref<10000x16xf32, #tpu.memory_space<vmem_shared>> -> memref<1000x16xf32, #tpu.memory_space<vmem_shared>>
        tpu.wait_dma2 semaphore(%run_scoped3A : memref<!tpu.dma_semaphore, #tpu.memory_space<semaphore_mem>>) src(%dma_wait3A_66 : memref<1000x16xf32, #tpu.memory_space<vmem_shared>>) dst(%dma_wait3A_64 : memref<1000x16xf32, #tpu.memory_space<hbm>>)
        tpu.yield
      }) : () -> ()
      "tpu.region"() ({
        %run_scoped3A = tpu.sem_alloc : memref<!tpu.dma_semaphore, #tpu.memory_space<semaphore_mem>>
        %dma_start3A_58 = arith.constant 0 : i32
        %dma_start3A_59 = tpu.memref_slice %arg9[%arg0, %mul3A_57, %dma_start3A_58] : memref<2x10000x8xf32, #tpu.memory_space<hbm>> -> memref<1x1000x8xf32, #tpu.memory_space<hbm>>
        %dma_start3A_60 = tpu.memref_squeeze %dma_start3A_59 : memref<1x1000x8xf32, #tpu.memory_space<hbm>> -> memref<1000x8xf32, #tpu.memory_space<hbm>>
        %dma_start3A_61 = arith.constant 0 : i32
        %dma_start3A_62 = tpu.memref_slice %arg11[%mul3A_57, %dma_start3A_61] : memref<10000x8xf32, #tpu.memory_space<vmem_shared>> -> memref<1000x8xf32, #tpu.memory_space<vmem_shared>>
        tpu.enqueue_dma source(%dma_start3A_62 : memref<1000x8xf32, #tpu.memory_space<vmem_shared>>) target(%dma_start3A_60 : memref<1000x8xf32, #tpu.memory_space<hbm>>) target_semaphore(%run_scoped3A : memref<!tpu.dma_semaphore, #tpu.memory_space<semaphore_mem>>)
        %dma_wait3A = arith.constant 0 : i32
        %dma_wait3A_63 = tpu.memref_slice %arg9[%arg0, %mul3A_57, %dma_wait3A] : memref<2x10000x8xf32, #tpu.memory_space<hbm>> -> memref<1x1000x8xf32, #tpu.memory_space<hbm>>
        %dma_wait3A_64 = tpu.memref_squeeze %dma_wait3A_63 : memref<1x1000x8xf32, #tpu.memory_space<hbm>> -> memref<1000x8xf32, #tpu.memory_space<hbm>>
        %dma_wait3A_65 = arith.constant 0 : i32
        %dma_wait3A_66 = tpu.memref_slice %arg11[%mul3A_57, %dma_wait3A_65] : memref<10000x8xf32, #tpu.memory_space<vmem_shared>> -> memref<1000x8xf32, #tpu.memory_space<vmem_shared>>
        tpu.wait_dma2 semaphore(%run_scoped3A : memref<!tpu.dma_semaphore, #tpu.memory_space<semaphore_mem>>) src(%dma_wait3A_66 : memref<1000x8xf32, #tpu.memory_space<vmem_shared>>) dst(%dma_wait3A_64 : memref<1000x8xf32, #tpu.memory_space<hbm>>)
        tpu.yield
      }) : () -> ()
    } else {
    }
    return
  }
}

#map = affine_map<(d0, d1) -> (0, 0, 0)>
#map1 = affine_map<(d0, d1) -> (0, 0)>
module attributes {stable_mosaic.version = 14 : i64} {
  func.func @_phase_c_body(%arg0: i32, %arg1: i32, %arg2: memref<32x125x80xi32, #tpu.memory_space<hbm>>, %arg3: memref<32x125x80xi32, #tpu.memory_space<hbm>>, %arg4: memref<10000x128xf32, #tpu.memory_space<hbm>>, %arg5: memref<10000x128xf32, #tpu.memory_space<hbm>>, %arg6: memref<2x10000x128xf32, #tpu.memory_space<hbm>>, %arg7: memref<10000x128xf32, #tpu.memory_space<vmem_shared>>, %arg8: memref<80xi32, #tpu.memory_space<vmem>>, %arg9: memref<80xi32, #tpu.memory_space<vmem>>, %arg10: memref<80xi32, #tpu.memory_space<vmem>>, %arg11: memref<80xi32, #tpu.memory_space<vmem>>, %arg12: memref<80xi32, #tpu.memory_space<vmem>>, %arg13: memref<80xi32, #tpu.memory_space<vmem>>, %arg14: memref<80xi32, #tpu.memory_space<vmem>>, %arg15: memref<80xi32, #tpu.memory_space<vmem>>, %arg16: memref<80xi32, #tpu.memory_space<vmem>>, %arg17: memref<80xi32, #tpu.memory_space<vmem>>, %arg18: memref<80xi32, #tpu.memory_space<vmem>>, %arg19: memref<80xi32, #tpu.memory_space<vmem>>, %arg20: memref<80x128xf32, #tpu.memory_space<vmem>>, %arg21: memref<80x128xf32, #tpu.memory_space<vmem>>, %arg22: memref<80x128xf32, #tpu.memory_space<vmem>>, %arg23: memref<80x128xf32, #tpu.memory_space<vmem>>, %arg24: memref<!tpu.dma_semaphore, #tpu.memory_space<semaphore_mem>>, %arg25: memref<!tpu.dma_semaphore, #tpu.memory_space<semaphore_mem>>, %arg26: memref<!tpu.dma_semaphore, #tpu.memory_space<semaphore_mem>>, %arg27: memref<!tpu.dma_semaphore, #tpu.memory_space<semaphore_mem>>, %arg28: memref<!tpu.dma_semaphore, #tpu.memory_space<semaphore_mem>>, %arg29: memref<!tpu.dma_semaphore, #tpu.memory_space<semaphore_mem>>, %arg30: memref<!tpu.dma_semaphore, #tpu.memory_space<semaphore_mem>>, %arg31: memref<!tpu.dma_semaphore, #tpu.memory_space<semaphore_mem>>, %arg32: memref<!tpu.dma_semaphore, #tpu.memory_space<semaphore_mem>>, %arg33: memref<!tpu.dma_semaphore, #tpu.memory_space<semaphore_mem>>, %arg34: memref<!tpu.dma_semaphore, #tpu.memory_space<semaphore_mem>>, %arg35: memref<!tpu.dma_semaphore, #tpu.memory_space<semaphore_mem>>) attributes {dimension_semantics = [#tpu.dimension_semantics<core_parallel>, #tpu.dimension_semantics<subcore_parallel>], iteration_bounds = array<i64: 2, 16>, scalar_prefetch = 0 : i64, scratch_operands = 29 : i64, tpu.core_type = #tpu.core_type<sc_vector_subcore>, window_params = [{transform_indices = #map}, {transform_indices = #map}, {transform_indices = #map1}, {transform_indices = #map1}, {transform_indices = #map}]} {
    %lt3A = arith.constant 10 : i32
    %lt3A_0 = arith.cmpi slt, %arg1, %lt3A : i32
    %convert_element_type3A = arith.extui %lt3A_0 : i1 to i32
    %cond3A = arith.constant 0 : i32
    %cond3A_1 = arith.cmpi ne, %convert_element_type3A, %cond3A : i32
    scf.if %cond3A_1 {
      %mul3A_163 = arith.constant 1000 : i32
      %mul3A_164 = arith.muli %arg1, %mul3A_163 : i32
      "tpu.region"() ({
        %run_scoped3A = tpu.sem_alloc : memref<!tpu.dma_semaphore, #tpu.memory_space<semaphore_mem>>
        %dma_start3A_165 = arith.constant 0 : i32
        %dma_start3A_166 = tpu.memref_slice %arg7[%mul3A_164, %dma_start3A_165] : memref<10000x128xf32, #tpu.memory_space<vmem_shared>> -> memref<1000x128xf32, #tpu.memory_space<vmem_shared>>
        %dma_start3A_167 = arith.constant 0 : i32
        %dma_start3A_168 = tpu.memref_slice %arg5[%mul3A_164, %dma_start3A_167] : memref<10000x128xf32, #tpu.memory_space<hbm>> -> memref<1000x128xf32, #tpu.memory_space<hbm>>
        tpu.enqueue_dma source(%dma_start3A_168 : memref<1000x128xf32, #tpu.memory_space<hbm>>) target(%dma_start3A_166 : memref<1000x128xf32, #tpu.memory_space<vmem_shared>>) target_semaphore(%run_scoped3A : memref<!tpu.dma_semaphore, #tpu.memory_space<semaphore_mem>>)
        %dma_wait3A_169 = arith.constant 0 : i32
        %dma_wait3A_170 = tpu.memref_slice %arg7[%mul3A_164, %dma_wait3A_169] : memref<10000x128xf32, #tpu.memory_space<vmem_shared>> -> memref<1000x128xf32, #tpu.memory_space<vmem_shared>>
        %dma_wait3A_171 = arith.constant 0 : i32
        %dma_wait3A_172 = tpu.memref_slice %arg5[%mul3A_164, %dma_wait3A_171] : memref<10000x128xf32, #tpu.memory_space<hbm>> -> memref<1000x128xf32, #tpu.memory_space<hbm>>
        tpu.wait_dma2 semaphore(%run_scoped3A : memref<!tpu.dma_semaphore, #tpu.memory_space<semaphore_mem>>) src(%dma_wait3A_172 : memref<1000x128xf32, #tpu.memory_space<hbm>>) dst(%dma_wait3A_170 : memref<1000x128xf32, #tpu.memory_space<vmem_shared>>)
        tpu.yield
      }) : () -> ()
    } else {
    }
    %mul3A = arith.constant 16 : i32
    %mul3A_2 = arith.muli %arg0, %mul3A : i32
    %add3A = arith.addi %mul3A_2, %arg1 : i32
    %barrier3A = arith.constant 0 : index
    tpu.barrier barrier_id(%barrier3A)
    %dma_start3A = arith.constant 0 : i32
    %dma_start3A_3 = arith.constant 0 : i32
    %dma_start3A_4 = tpu.memref_slice %arg2[%add3A, %dma_start3A, %dma_start3A_3] : memref<32x125x80xi32, #tpu.memory_space<hbm>> -> memref<1x1x80xi32, #tpu.memory_space<hbm>>
    %dma_start3A_5 = tpu.memref_squeeze %dma_start3A_4 : memref<1x1x80xi32, #tpu.memory_space<hbm>> -> memref<80xi32, #tpu.memory_space<hbm>>
    %dma_start3A_6 = arith.constant 0 : i32
    %dma_start3A_7 = tpu.memref_slice %arg2[%add3A, %dma_start3A, %dma_start3A_6] : memref<32x125x80xi32, #tpu.memory_space<hbm>> -> memref<1x1x80xi32, #tpu.memory_space<hbm>>
    %dma_start3A_8 = tpu.memref_squeeze %dma_start3A_7 : memref<1x1x80xi32, #tpu.memory_space<hbm>> -> memref<80xi32, #tpu.memory_space<hbm>>
    tpu.enqueue_dma source(%dma_start3A_8 : memref<80xi32, #tpu.memory_space<hbm>>) target(%arg8 : memref<80xi32, #tpu.memory_space<vmem>>) target_semaphore(%arg28 : memref<!tpu.dma_semaphore, #tpu.memory_space<semaphore_mem>>)
    %dma_start3A_9 = arith.constant 0 : i32
    %dma_start3A_10 = arith.constant 0 : i32
    %dma_start3A_11 = tpu.memref_slice %arg3[%add3A, %dma_start3A_9, %dma_start3A_10] : memref<32x125x80xi32, #tpu.memory_space<hbm>> -> memref<1x1x80xi32, #tpu.memory_space<hbm>>
    %dma_start3A_12 = tpu.memref_squeeze %dma_start3A_11 : memref<1x1x80xi32, #tpu.memory_space<hbm>> -> memref<80xi32, #tpu.memory_space<hbm>>
    %dma_start3A_13 = arith.constant 0 : i32
    %dma_start3A_14 = tpu.memref_slice %arg3[%add3A, %dma_start3A_9, %dma_start3A_13] : memref<32x125x80xi32, #tpu.memory_space<hbm>> -> memref<1x1x80xi32, #tpu.memory_space<hbm>>
    %dma_start3A_15 = tpu.memref_squeeze %dma_start3A_14 : memref<1x1x80xi32, #tpu.memory_space<hbm>> -> memref<80xi32, #tpu.memory_space<hbm>>
    tpu.enqueue_dma source(%dma_start3A_15 : memref<80xi32, #tpu.memory_space<hbm>>) target(%arg12 : memref<80xi32, #tpu.memory_space<vmem>>) target_semaphore(%arg28 : memref<!tpu.dma_semaphore, #tpu.memory_space<semaphore_mem>>)
    %dma_start3A_16 = arith.constant 1 : i32
    %dma_start3A_17 = arith.constant 0 : i32
    %dma_start3A_18 = tpu.memref_slice %arg2[%add3A, %dma_start3A_16, %dma_start3A_17] : memref<32x125x80xi32, #tpu.memory_space<hbm>> -> memref<1x1x80xi32, #tpu.memory_space<hbm>>
    %dma_start3A_19 = tpu.memref_squeeze %dma_start3A_18 : memref<1x1x80xi32, #tpu.memory_space<hbm>> -> memref<80xi32, #tpu.memory_space<hbm>>
    %dma_start3A_20 = arith.constant 0 : i32
    %dma_start3A_21 = tpu.memref_slice %arg2[%add3A, %dma_start3A_16, %dma_start3A_20] : memref<32x125x80xi32, #tpu.memory_space<hbm>> -> memref<1x1x80xi32, #tpu.memory_space<hbm>>
    %dma_start3A_22 = tpu.memref_squeeze %dma_start3A_21 : memref<1x1x80xi32, #tpu.memory_space<hbm>> -> memref<80xi32, #tpu.memory_space<hbm>>
    tpu.enqueue_dma source(%dma_start3A_22 : memref<80xi32, #tpu.memory_space<hbm>>) target(%arg9 : memref<80xi32, #tpu.memory_space<vmem>>) target_semaphore(%arg29 : memref<!tpu.dma_semaphore, #tpu.memory_space<semaphore_mem>>)
    %dma_start3A_23 = arith.constant 1 : i32
    %dma_start3A_24 = arith.constant 0 : i32
    %dma_start3A_25 = tpu.memref_slice %arg3[%add3A, %dma_start3A_23, %dma_start3A_24] : memref<32x125x80xi32, #tpu.memory_space<hbm>> -> memref<1x1x80xi32, #tpu.memory_space<hbm>>
    %dma_start3A_26 = tpu.memref_squeeze %dma_start3A_25 : memref<1x1x80xi32, #tpu.memory_space<hbm>> -> memref<80xi32, #tpu.memory_space<hbm>>
    %dma_start3A_27 = arith.constant 0 : i32
    %dma_start3A_28 = tpu.memref_slice %arg3[%add3A, %dma_start3A_23, %dma_start3A_27] : memref<32x125x80xi32, #tpu.memory_space<hbm>> -> memref<1x1x80xi32, #tpu.memory_space<hbm>>
    %dma_start3A_29 = tpu.memref_squeeze %dma_start3A_28 : memref<1x1x80xi32, #tpu.memory_space<hbm>> -> memref<80xi32, #tpu.memory_space<hbm>>
    tpu.enqueue_dma source(%dma_start3A_29 : memref<80xi32, #tpu.memory_space<hbm>>) target(%arg13 : memref<80xi32, #tpu.memory_space<vmem>>) target_semaphore(%arg29 : memref<!tpu.dma_semaphore, #tpu.memory_space<semaphore_mem>>)
    %dma_start3A_30 = arith.constant 2 : i32
    %dma_start3A_31 = arith.constant 0 : i32
    %dma_start3A_32 = tpu.memref_slice %arg2[%add3A, %dma_start3A_30, %dma_start3A_31] : memref<32x125x80xi32, #tpu.memory_space<hbm>> -> memref<1x1x80xi32, #tpu.memory_space<hbm>>
    %dma_start3A_33 = tpu.memref_squeeze %dma_start3A_32 : memref<1x1x80xi32, #tpu.memory_space<hbm>> -> memref<80xi32, #tpu.memory_space<hbm>>
    %dma_start3A_34 = arith.constant 0 : i32
    %dma_start3A_35 = tpu.memref_slice %arg2[%add3A, %dma_start3A_30, %dma_start3A_34] : memref<32x125x80xi32, #tpu.memory_space<hbm>> -> memref<1x1x80xi32, #tpu.memory_space<hbm>>
    %dma_start3A_36 = tpu.memref_squeeze %dma_start3A_35 : memref<1x1x80xi32, #tpu.memory_space<hbm>> -> memref<80xi32, #tpu.memory_space<hbm>>
    tpu.enqueue_dma source(%dma_start3A_36 : memref<80xi32, #tpu.memory_space<hbm>>) target(%arg10 : memref<80xi32, #tpu.memory_space<vmem>>) target_semaphore(%arg30 : memref<!tpu.dma_semaphore, #tpu.memory_space<semaphore_mem>>)
    %dma_start3A_37 = arith.constant 2 : i32
    %dma_start3A_38 = arith.constant 0 : i32
    %dma_start3A_39 = tpu.memref_slice %arg3[%add3A, %dma_start3A_37, %dma_start3A_38] : memref<32x125x80xi32, #tpu.memory_space<hbm>> -> memref<1x1x80xi32, #tpu.memory_space<hbm>>
    %dma_start3A_40 = tpu.memref_squeeze %dma_start3A_39 : memref<1x1x80xi32, #tpu.memory_space<hbm>> -> memref<80xi32, #tpu.memory_space<hbm>>
    %dma_start3A_41 = arith.constant 0 : i32
    %dma_start3A_42 = tpu.memref_slice %arg3[%add3A, %dma_start3A_37, %dma_start3A_41] : memref<32x125x80xi32, #tpu.memory_space<hbm>> -> memref<1x1x80xi32, #tpu.memory_space<hbm>>
    %dma_start3A_43 = tpu.memref_squeeze %dma_start3A_42 : memref<1x1x80xi32, #tpu.memory_space<hbm>> -> memref<80xi32, #tpu.memory_space<hbm>>
    tpu.enqueue_dma source(%dma_start3A_43 : memref<80xi32, #tpu.memory_space<hbm>>) target(%arg14 : memref<80xi32, #tpu.memory_space<vmem>>) target_semaphore(%arg30 : memref<!tpu.dma_semaphore, #tpu.memory_space<semaphore_mem>>)
    %dma_start3A_44 = arith.constant 3 : i32
    %dma_start3A_45 = arith.constant 0 : i32
    %dma_start3A_46 = tpu.memref_slice %arg2[%add3A, %dma_start3A_44, %dma_start3A_45] : memref<32x125x80xi32, #tpu.memory_space<hbm>> -> memref<1x1x80xi32, #tpu.memory_space<hbm>>
    %dma_start3A_47 = tpu.memref_squeeze %dma_start3A_46 : memref<1x1x80xi32, #tpu.memory_space<hbm>> -> memref<80xi32, #tpu.memory_space<hbm>>
    %dma_start3A_48 = arith.constant 0 : i32
    %dma_start3A_49 = tpu.memref_slice %arg2[%add3A, %dma_start3A_44, %dma_start3A_48] : memref<32x125x80xi32, #tpu.memory_space<hbm>> -> memref<1x1x80xi32, #tpu.memory_space<hbm>>
    %dma_start3A_50 = tpu.memref_squeeze %dma_start3A_49 : memref<1x1x80xi32, #tpu.memory_space<hbm>> -> memref<80xi32, #tpu.memory_space<hbm>>
    tpu.enqueue_dma source(%dma_start3A_50 : memref<80xi32, #tpu.memory_space<hbm>>) target(%arg11 : memref<80xi32, #tpu.memory_space<vmem>>) target_semaphore(%arg31 : memref<!tpu.dma_semaphore, #tpu.memory_space<semaphore_mem>>)
    %dma_start3A_51 = arith.constant 3 : i32
    %dma_start3A_52 = arith.constant 0 : i32
    %dma_start3A_53 = tpu.memref_slice %arg3[%add3A, %dma_start3A_51, %dma_start3A_52] : memref<32x125x80xi32, #tpu.memory_space<hbm>> -> memref<1x1x80xi32, #tpu.memory_space<hbm>>
    %dma_start3A_54 = tpu.memref_squeeze %dma_start3A_53 : memref<1x1x80xi32, #tpu.memory_space<hbm>> -> memref<80xi32, #tpu.memory_space<hbm>>
    %dma_start3A_55 = arith.constant 0 : i32
    %dma_start3A_56 = tpu.memref_slice %arg3[%add3A, %dma_start3A_51, %dma_start3A_55] : memref<32x125x80xi32, #tpu.memory_space<hbm>> -> memref<1x1x80xi32, #tpu.memory_space<hbm>>
    %dma_start3A_57 = tpu.memref_squeeze %dma_start3A_56 : memref<1x1x80xi32, #tpu.memory_space<hbm>> -> memref<80xi32, #tpu.memory_space<hbm>>
    tpu.enqueue_dma source(%dma_start3A_57 : memref<80xi32, #tpu.memory_space<hbm>>) target(%arg15 : memref<80xi32, #tpu.memory_space<vmem>>) target_semaphore(%arg31 : memref<!tpu.dma_semaphore, #tpu.memory_space<semaphore_mem>>)
    %dma_wait3A = arith.constant 0 : i32
    %dma_wait3A_58 = arith.constant 0 : i32
    %dma_wait3A_59 = tpu.memref_slice %arg2[%add3A, %dma_wait3A, %dma_wait3A_58] : memref<32x125x80xi32, #tpu.memory_space<hbm>> -> memref<1x1x80xi32, #tpu.memory_space<hbm>>
    %dma_wait3A_60 = tpu.memref_squeeze %dma_wait3A_59 : memref<1x1x80xi32, #tpu.memory_space<hbm>> -> memref<80xi32, #tpu.memory_space<hbm>>
    %dma_wait3A_61 = arith.constant 0 : i32
    %dma_wait3A_62 = tpu.memref_slice %arg2[%add3A, %dma_wait3A, %dma_wait3A_61] : memref<32x125x80xi32, #tpu.memory_space<hbm>> -> memref<1x1x80xi32, #tpu.memory_space<hbm>>
    %dma_wait3A_63 = tpu.memref_squeeze %dma_wait3A_62 : memref<1x1x80xi32, #tpu.memory_space<hbm>> -> memref<80xi32, #tpu.memory_space<hbm>>
    tpu.wait_dma2 semaphore(%arg28 : memref<!tpu.dma_semaphore, #tpu.memory_space<semaphore_mem>>) src(%dma_wait3A_63 : memref<80xi32, #tpu.memory_space<hbm>>) dst(%arg8 : memref<80xi32, #tpu.memory_space<vmem>>)
    %dma_wait3A_64 = arith.constant 0 : i32
    %dma_wait3A_65 = arith.constant 0 : i32
    %dma_wait3A_66 = tpu.memref_slice %arg3[%add3A, %dma_wait3A_64, %dma_wait3A_65] : memref<32x125x80xi32, #tpu.memory_space<hbm>> -> memref<1x1x80xi32, #tpu.memory_space<hbm>>
    %dma_wait3A_67 = tpu.memref_squeeze %dma_wait3A_66 : memref<1x1x80xi32, #tpu.memory_space<hbm>> -> memref<80xi32, #tpu.memory_space<hbm>>
    %dma_wait3A_68 = arith.constant 0 : i32
    %dma_wait3A_69 = tpu.memref_slice %arg3[%add3A, %dma_wait3A_64, %dma_wait3A_68] : memref<32x125x80xi32, #tpu.memory_space<hbm>> -> memref<1x1x80xi32, #tpu.memory_space<hbm>>
    %dma_wait3A_70 = tpu.memref_squeeze %dma_wait3A_69 : memref<1x1x80xi32, #tpu.memory_space<hbm>> -> memref<80xi32, #tpu.memory_space<hbm>>
    tpu.wait_dma2 semaphore(%arg28 : memref<!tpu.dma_semaphore, #tpu.memory_space<semaphore_mem>>) src(%dma_wait3A_70 : memref<80xi32, #tpu.memory_space<hbm>>) dst(%arg12 : memref<80xi32, #tpu.memory_space<vmem>>)
    %dma_start3A_71 = arith.constant 0 : i32
    %dma_start3A_72 = arith.constant 0 : i32
    %dma_start3A_73 = tpu.memref_slice %arg4[%dma_start3A_71, %dma_start3A_72] : memref<10000x128xf32, #tpu.memory_space<hbm>> -> memref<10000x128xf32, #tpu.memory_space<hbm>>
    tpu.enqueue_indirect_dma source(%dma_start3A_73 : memref<10000x128xf32, #tpu.memory_space<hbm>>) target(%arg20 : memref<80x128xf32, #tpu.memory_space<vmem>>) offsets(%arg8 : memref<80xi32, #tpu.memory_space<vmem>>) semaphore(%arg24 : memref<!tpu.dma_semaphore, #tpu.memory_space<semaphore_mem>>)
    %dma_wait3A_74 = arith.constant 1 : i32
    %dma_wait3A_75 = arith.constant 0 : i32
    %dma_wait3A_76 = tpu.memref_slice %arg2[%add3A, %dma_wait3A_74, %dma_wait3A_75] : memref<32x125x80xi32, #tpu.memory_space<hbm>> -> memref<1x1x80xi32, #tpu.memory_space<hbm>>
    %dma_wait3A_77 = tpu.memref_squeeze %dma_wait3A_76 : memref<1x1x80xi32, #tpu.memory_space<hbm>> -> memref<80xi32, #tpu.memory_space<hbm>>
    %dma_wait3A_78 = arith.constant 0 : i32
    %dma_wait3A_79 = tpu.memref_slice %arg2[%add3A, %dma_wait3A_74, %dma_wait3A_78] : memref<32x125x80xi32, #tpu.memory_space<hbm>> -> memref<1x1x80xi32, #tpu.memory_space<hbm>>
    %dma_wait3A_80 = tpu.memref_squeeze %dma_wait3A_79 : memref<1x1x80xi32, #tpu.memory_space<hbm>> -> memref<80xi32, #tpu.memory_space<hbm>>
    tpu.wait_dma2 semaphore(%arg29 : memref<!tpu.dma_semaphore, #tpu.memory_space<semaphore_mem>>) src(%dma_wait3A_80 : memref<80xi32, #tpu.memory_space<hbm>>) dst(%arg9 : memref<80xi32, #tpu.memory_space<vmem>>)
    %dma_wait3A_81 = arith.constant 1 : i32
    %dma_wait3A_82 = arith.constant 0 : i32
    %dma_wait3A_83 = tpu.memref_slice %arg3[%add3A, %dma_wait3A_81, %dma_wait3A_82] : memref<32x125x80xi32, #tpu.memory_space<hbm>> -> memref<1x1x80xi32, #tpu.memory_space<hbm>>
    %dma_wait3A_84 = tpu.memref_squeeze %dma_wait3A_83 : memref<1x1x80xi32, #tpu.memory_space<hbm>> -> memref<80xi32, #tpu.memory_space<hbm>>
    %dma_wait3A_85 = arith.constant 0 : i32
    %dma_wait3A_86 = tpu.memref_slice %arg3[%add3A, %dma_wait3A_81, %dma_wait3A_85] : memref<32x125x80xi32, #tpu.memory_space<hbm>> -> memref<1x1x80xi32, #tpu.memory_space<hbm>>
    %dma_wait3A_87 = tpu.memref_squeeze %dma_wait3A_86 : memref<1x1x80xi32, #tpu.memory_space<hbm>> -> memref<80xi32, #tpu.memory_space<hbm>>
    tpu.wait_dma2 semaphore(%arg29 : memref<!tpu.dma_semaphore, #tpu.memory_space<semaphore_mem>>) src(%dma_wait3A_87 : memref<80xi32, #tpu.memory_space<hbm>>) dst(%arg13 : memref<80xi32, #tpu.memory_space<vmem>>)
    %dma_start3A_88 = arith.constant 0 : i32
    %dma_start3A_89 = arith.constant 0 : i32
    %dma_start3A_90 = tpu.memref_slice %arg4[%dma_start3A_88, %dma_start3A_89] : memref<10000x128xf32, #tpu.memory_space<hbm>> -> memref<10000x128xf32, #tpu.memory_space<hbm>>
    tpu.enqueue_indirect_dma source(%dma_start3A_90 : memref<10000x128xf32, #tpu.memory_space<hbm>>) target(%arg21 : memref<80x128xf32, #tpu.memory_space<vmem>>) offsets(%arg9 : memref<80xi32, #tpu.memory_space<vmem>>) semaphore(%arg25 : memref<!tpu.dma_semaphore, #tpu.memory_space<semaphore_mem>>)
    %dma_wait3A_91 = arith.constant 2 : i32
    %dma_wait3A_92 = arith.constant 0 : i32
    %dma_wait3A_93 = tpu.memref_slice %arg2[%add3A, %dma_wait3A_91, %dma_wait3A_92] : memref<32x125x80xi32, #tpu.memory_space<hbm>> -> memref<1x1x80xi32, #tpu.memory_space<hbm>>
    %dma_wait3A_94 = tpu.memref_squeeze %dma_wait3A_93 : memref<1x1x80xi32, #tpu.memory_space<hbm>> -> memref<80xi32, #tpu.memory_space<hbm>>
    %dma_wait3A_95 = arith.constant 0 : i32
    %dma_wait3A_96 = tpu.memref_slice %arg2[%add3A, %dma_wait3A_91, %dma_wait3A_95] : memref<32x125x80xi32, #tpu.memory_space<hbm>> -> memref<1x1x80xi32, #tpu.memory_space<hbm>>
    %dma_wait3A_97 = tpu.memref_squeeze %dma_wait3A_96 : memref<1x1x80xi32, #tpu.memory_space<hbm>> -> memref<80xi32, #tpu.memory_space<hbm>>
    tpu.wait_dma2 semaphore(%arg30 : memref<!tpu.dma_semaphore, #tpu.memory_space<semaphore_mem>>) src(%dma_wait3A_97 : memref<80xi32, #tpu.memory_space<hbm>>) dst(%arg10 : memref<80xi32, #tpu.memory_space<vmem>>)
    %dma_wait3A_98 = arith.constant 2 : i32
    %dma_wait3A_99 = arith.constant 0 : i32
    %dma_wait3A_100 = tpu.memref_slice %arg3[%add3A, %dma_wait3A_98, %dma_wait3A_99] : memref<32x125x80xi32, #tpu.memory_space<hbm>> -> memref<1x1x80xi32, #tpu.memory_space<hbm>>
    %dma_wait3A_101 = tpu.memref_squeeze %dma_wait3A_100 : memref<1x1x80xi32, #tpu.memory_space<hbm>> -> memref<80xi32, #tpu.memory_space<hbm>>
    %dma_wait3A_102 = arith.constant 0 : i32
    %dma_wait3A_103 = tpu.memref_slice %arg3[%add3A, %dma_wait3A_98, %dma_wait3A_102] : memref<32x125x80xi32, #tpu.memory_space<hbm>> -> memref<1x1x80xi32, #tpu.memory_space<hbm>>
    %dma_wait3A_104 = tpu.memref_squeeze %dma_wait3A_103 : memref<1x1x80xi32, #tpu.memory_space<hbm>> -> memref<80xi32, #tpu.memory_space<hbm>>
    tpu.wait_dma2 semaphore(%arg30 : memref<!tpu.dma_semaphore, #tpu.memory_space<semaphore_mem>>) src(%dma_wait3A_104 : memref<80xi32, #tpu.memory_space<hbm>>) dst(%arg14 : memref<80xi32, #tpu.memory_space<vmem>>)
    %dma_start3A_105 = arith.constant 0 : i32
    %dma_start3A_106 = arith.constant 0 : i32
    %dma_start3A_107 = tpu.memref_slice %arg4[%dma_start3A_105, %dma_start3A_106] : memref<10000x128xf32, #tpu.memory_space<hbm>> -> memref<10000x128xf32, #tpu.memory_space<hbm>>
    tpu.enqueue_indirect_dma source(%dma_start3A_107 : memref<10000x128xf32, #tpu.memory_space<hbm>>) target(%arg22 : memref<80x128xf32, #tpu.memory_space<vmem>>) offsets(%arg10 : memref<80xi32, #tpu.memory_space<vmem>>) semaphore(%arg26 : memref<!tpu.dma_semaphore, #tpu.memory_space<semaphore_mem>>)
    %scan3A = arith.constant 0 : i32
    %scan3A_108 = arith.constant 31 : i32
    %scan3A_109 = arith.addi %scan3A, %scan3A_108 : i32
    %scan3A_110 = arith.constant 1 : i32
    scf.for %scan3A_163 = %scan3A to %scan3A_109 step %scan3A_110  : i32 {
      %mul3A_164 = arith.constant 4 : i32
      %mul3A_165 = arith.muli %scan3A_163, %mul3A_164 : i32
      %add3A_166 = arith.constant 0 : i32
      %add3A_167 = arith.addi %add3A_166, %mul3A_165 : i32
      %add3A_168 = arith.constant 0 : i32
      %add3A_169 = arith.addi %add3A_167, %add3A_168 : i32
      %dma_wait3A_170 = arith.constant 0 : i32
      %dma_wait3A_171 = arith.constant 0 : i32
      %dma_wait3A_172 = tpu.memref_slice %arg4[%dma_wait3A_170, %dma_wait3A_171] : memref<10000x128xf32, #tpu.memory_space<hbm>> -> memref<10000x128xf32, #tpu.memory_space<hbm>>
      tpu.wait_indirect_dma semaphore(%arg24 : memref<!tpu.dma_semaphore, #tpu.memory_space<semaphore_mem>>) src(%dma_wait3A_172 : memref<10000x128xf32, #tpu.memory_space<hbm>>) dst(%arg20 : memref<80x128xf32, #tpu.memory_space<vmem>>)
      %gt3A = arith.constant 0 : i32
      %gt3A_173 = arith.cmpi sgt, %add3A_167, %gt3A : i32
      %convert_element_type3A_174 = arith.extui %gt3A_173 : i1 to i32
      %cond3A_175 = arith.constant 0 : i32
      %cond3A_176 = arith.cmpi ne, %convert_element_type3A_174, %cond3A_175 : i32
      scf.if %cond3A_176 {
        %dma_wait3A_409 = arith.constant 0 : i32
        %dma_wait3A_410 = arith.constant 0 : i32
        %dma_wait3A_411 = tpu.memref_slice %arg7[%dma_wait3A_409, %dma_wait3A_410] : memref<10000x128xf32, #tpu.memory_space<vmem_shared>> -> memref<10000x128xf32, #tpu.memory_space<vmem_shared>>
        tpu.wait_indirect_dma semaphore(%arg35 : memref<!tpu.dma_semaphore, #tpu.memory_space<semaphore_mem>>) src(%arg23 : memref<80x128xf32, #tpu.memory_space<vmem>>) dst(%dma_wait3A_411 : memref<10000x128xf32, #tpu.memory_space<vmem_shared>>)
      } else {
      }
      %add3A_177 = arith.constant 3 : i32
      %add3A_178 = arith.addi %add3A_169, %add3A_177 : i32
      %lt3A_179 = arith.constant 125 : i32
      %lt3A_180 = arith.cmpi slt, %add3A_178, %lt3A_179 : i32
      %convert_element_type3A_181 = arith.extui %lt3A_180 : i1 to i32
      %cond3A_182 = arith.constant 0 : i32
      %cond3A_183 = arith.cmpi ne, %convert_element_type3A_181, %cond3A_182 : i32
      scf.if %cond3A_183 {
        %add3A_409 = arith.constant 3 : i32
        %add3A_410 = arith.addi %add3A_169, %add3A_409 : i32
        %dma_wait3A_411 = arith.constant 0 : i32
        %dma_wait3A_412 = tpu.memref_slice %arg2[%add3A, %add3A_410, %dma_wait3A_411] : memref<32x125x80xi32, #tpu.memory_space<hbm>> -> memref<1x1x80xi32, #tpu.memory_space<hbm>>
        %dma_wait3A_413 = tpu.memref_squeeze %dma_wait3A_412 : memref<1x1x80xi32, #tpu.memory_space<hbm>> -> memref<80xi32, #tpu.memory_space<hbm>>
        %dma_wait3A_414 = arith.constant 0 : i32
        %dma_wait3A_415 = tpu.memref_slice %arg2[%add3A, %add3A_410, %dma_wait3A_414] : memref<32x125x80xi32, #tpu.memory_space<hbm>> -> memref<1x1x80xi32, #tpu.memory_space<hbm>>
        %dma_wait3A_416 = tpu.memref_squeeze %dma_wait3A_415 : memref<1x1x80xi32, #tpu.memory_space<hbm>> -> memref<80xi32, #tpu.memory_space<hbm>>
        tpu.wait_dma2 semaphore(%arg31 : memref<!tpu.dma_semaphore, #tpu.memory_space<semaphore_mem>>) src(%dma_wait3A_416 : memref<80xi32, #tpu.memory_space<hbm>>) dst(%arg11 : memref<80xi32, #tpu.memory_space<vmem>>)
        %add3A_417 = arith.constant 3 : i32
        %add3A_418 = arith.addi %add3A_169, %add3A_417 : i32
        %dma_wait3A_419 = arith.constant 0 : i32
        %dma_wait3A_420 = tpu.memref_slice %arg3[%add3A, %add3A_418, %dma_wait3A_419] : memref<32x125x80xi32, #tpu.memory_space<hbm>> -> memref<1x1x80xi32, #tpu.memory_space<hbm>>
        %dma_wait3A_421 = tpu.memref_squeeze %dma_wait3A_420 : memref<1x1x80xi32, #tpu.memory_space<hbm>> -> memref<80xi32, #tpu.memory_space<hbm>>
        %dma_wait3A_422 = arith.constant 0 : i32
        %dma_wait3A_423 = tpu.memref_slice %arg3[%add3A, %add3A_418, %dma_wait3A_422] : memref<32x125x80xi32, #tpu.memory_space<hbm>> -> memref<1x1x80xi32, #tpu.memory_space<hbm>>
        %dma_wait3A_424 = tpu.memref_squeeze %dma_wait3A_423 : memref<1x1x80xi32, #tpu.memory_space<hbm>> -> memref<80xi32, #tpu.memory_space<hbm>>
        tpu.wait_dma2 semaphore(%arg31 : memref<!tpu.dma_semaphore, #tpu.memory_space<semaphore_mem>>) src(%dma_wait3A_424 : memref<80xi32, #tpu.memory_space<hbm>>) dst(%arg15 : memref<80xi32, #tpu.memory_space<vmem>>)
        %dma_start3A_425 = arith.constant 0 : i32
        %dma_start3A_426 = arith.constant 0 : i32
        %dma_start3A_427 = tpu.memref_slice %arg4[%dma_start3A_425, %dma_start3A_426] : memref<10000x128xf32, #tpu.memory_space<hbm>> -> memref<10000x128xf32, #tpu.memory_space<hbm>>
        tpu.enqueue_indirect_dma source(%dma_start3A_427 : memref<10000x128xf32, #tpu.memory_space<hbm>>) target(%arg23 : memref<80x128xf32, #tpu.memory_space<vmem>>) offsets(%arg11 : memref<80xi32, #tpu.memory_space<vmem>>) semaphore(%arg27 : memref<!tpu.dma_semaphore, #tpu.memory_space<semaphore_mem>>)
      } else {
      }
      %get3A_184 = arith.constant 0 : index
      %get3A_185 = tpu.vector_load %arg12[%get3A_184] {strides = array<i32>} : memref<80xi32, #tpu.memory_space<vmem>>, vector<16xi32>,
      %get3A_186 = vector.shape_cast %get3A_185 : vector<16xi32> to vector<16xi32>
      %swap3A_187 = arith.constant 0 : index
      %swap3A_188 = tpu.vector_load %arg16[%swap3A_187] {strides = array<i32>} : memref<80xi32, #tpu.memory_space<vmem>>, vector<16xi32>,
      %swap3A_189 = vector.shape_cast %swap3A_188 : vector<16xi32> to vector<16xi32>
      %swap3A_190 = vector.shape_cast %get3A_186 : vector<16xi32> to vector<16xi32>
      tpu.vector_store %arg16[%swap3A_187], %swap3A_190 {strides = array<i32>} : memref<80xi32, #tpu.memory_space<vmem>>, vector<16xi32>,
      %get3A_191 = arith.constant 16 : index
      %get3A_192 = tpu.vector_load %arg12[%get3A_191] {strides = array<i32>} : memref<80xi32, #tpu.memory_space<vmem>>, vector<16xi32>,
      %get3A_193 = vector.shape_cast %get3A_192 : vector<16xi32> to vector<16xi32>
      %swap3A_194 = arith.constant 16 : index
      %swap3A_195 = tpu.vector_load %arg16[%swap3A_194] {strides = array<i32>} : memref<80xi32, #tpu.memory_space<vmem>>, vector<16xi32>,
      %swap3A_196 = vector.shape_cast %swap3A_195 : vector<16xi32> to vector<16xi32>
      %swap3A_197 = vector.shape_cast %get3A_193 : vector<16xi32> to vector<16xi32>
      tpu.vector_store %arg16[%swap3A_194], %swap3A_197 {strides = array<i32>} : memref<80xi32, #tpu.memory_space<vmem>>, vector<16xi32>,
      %get3A_198 = arith.constant 32 : index
      %get3A_199 = tpu.vector_load %arg12[%get3A_198] {strides = array<i32>} : memref<80xi32, #tpu.memory_space<vmem>>, vector<16xi32>,
      %get3A_200 = vector.shape_cast %get3A_199 : vector<16xi32> to vector<16xi32>
      %swap3A_201 = arith.constant 32 : index
      %swap3A_202 = tpu.vector_load %arg16[%swap3A_201] {strides = array<i32>} : memref<80xi32, #tpu.memory_space<vmem>>, vector<16xi32>,
      %swap3A_203 = vector.shape_cast %swap3A_202 : vector<16xi32> to vector<16xi32>
      %swap3A_204 = vector.shape_cast %get3A_200 : vector<16xi32> to vector<16xi32>
      tpu.vector_store %arg16[%swap3A_201], %swap3A_204 {strides = array<i32>} : memref<80xi32, #tpu.memory_space<vmem>>, vector<16xi32>,
      %get3A_205 = arith.constant 48 : index
      %get3A_206 = tpu.vector_load %arg12[%get3A_205] {strides = array<i32>} : memref<80xi32, #tpu.memory_space<vmem>>, vector<16xi32>,
      %get3A_207 = vector.shape_cast %get3A_206 : vector<16xi32> to vector<16xi32>
      %swap3A_208 = arith.constant 48 : index
      %swap3A_209 = tpu.vector_load %arg16[%swap3A_208] {strides = array<i32>} : memref<80xi32, #tpu.memory_space<vmem>>, vector<16xi32>,
      %swap3A_210 = vector.shape_cast %swap3A_209 : vector<16xi32> to vector<16xi32>
      %swap3A_211 = vector.shape_cast %get3A_207 : vector<16xi32> to vector<16xi32>
      tpu.vector_store %arg16[%swap3A_208], %swap3A_211 {strides = array<i32>} : memref<80xi32, #tpu.memory_space<vmem>>, vector<16xi32>,
      %get3A_212 = arith.constant 64 : index
      %get3A_213 = tpu.vector_load %arg12[%get3A_212] {strides = array<i32>} : memref<80xi32, #tpu.memory_space<vmem>>, vector<16xi32>,
      %get3A_214 = vector.shape_cast %get3A_213 : vector<16xi32> to vector<16xi32>
      %swap3A_215 = arith.constant 64 : index
      %swap3A_216 = tpu.vector_load %arg16[%swap3A_215] {strides = array<i32>} : memref<80xi32, #tpu.memory_space<vmem>>, vector<16xi32>,
      %swap3A_217 = vector.shape_cast %swap3A_216 : vector<16xi32> to vector<16xi32>
      %swap3A_218 = vector.shape_cast %get3A_214 : vector<16xi32> to vector<16xi32>
      tpu.vector_store %arg16[%swap3A_215], %swap3A_218 {strides = array<i32>} : memref<80xi32, #tpu.memory_space<vmem>>, vector<16xi32>,
      %dma_start3A_219 = arith.constant 0 : i32
      %dma_start3A_220 = arith.constant 0 : i32
      %dma_start3A_221 = tpu.memref_slice %arg7[%dma_start3A_219, %dma_start3A_220] : memref<10000x128xf32, #tpu.memory_space<vmem_shared>> -> memref<10000x128xf32, #tpu.memory_space<vmem_shared>>
      tpu.enqueue_indirect_dma source(%arg20 : memref<80x128xf32, #tpu.memory_space<vmem>>) target(%dma_start3A_221 : memref<10000x128xf32, #tpu.memory_space<vmem_shared>>) offsets(%arg16 : memref<80xi32, #tpu.memory_space<vmem>>) semaphore(%arg32 : memref<!tpu.dma_semaphore, #tpu.memory_space<semaphore_mem>>) {add = true}
      %add3A_222 = arith.constant 4 : i32
      %add3A_223 = arith.addi %add3A_169, %add3A_222 : i32
      %lt3A_224 = arith.constant 125 : i32
      %lt3A_225 = arith.cmpi slt, %add3A_223, %lt3A_224 : i32
      %convert_element_type3A_226 = arith.extui %lt3A_225 : i1 to i32
      %cond3A_227 = arith.constant 0 : i32
      %cond3A_228 = arith.cmpi ne, %convert_element_type3A_226, %cond3A_227 : i32
      scf.if %cond3A_228 {
        %add3A_409 = arith.constant 4 : i32
        %add3A_410 = arith.addi %add3A_169, %add3A_409 : i32
        %dma_start3A_411 = arith.constant 0 : i32
        %dma_start3A_412 = tpu.memref_slice %arg2[%add3A, %add3A_410, %dma_start3A_411] : memref<32x125x80xi32, #tpu.memory_space<hbm>> -> memref<1x1x80xi32, #tpu.memory_space<hbm>>
        %dma_start3A_413 = tpu.memref_squeeze %dma_start3A_412 : memref<1x1x80xi32, #tpu.memory_space<hbm>> -> memref<80xi32, #tpu.memory_space<hbm>>
        %dma_start3A_414 = arith.constant 0 : i32
        %dma_start3A_415 = tpu.memref_slice %arg2[%add3A, %add3A_410, %dma_start3A_414] : memref<32x125x80xi32, #tpu.memory_space<hbm>> -> memref<1x1x80xi32, #tpu.memory_space<hbm>>
        %dma_start3A_416 = tpu.memref_squeeze %dma_start3A_415 : memref<1x1x80xi32, #tpu.memory_space<hbm>> -> memref<80xi32, #tpu.memory_space<hbm>>
        tpu.enqueue_dma source(%dma_start3A_416 : memref<80xi32, #tpu.memory_space<hbm>>) target(%arg8 : memref<80xi32, #tpu.memory_space<vmem>>) target_semaphore(%arg28 : memref<!tpu.dma_semaphore, #tpu.memory_space<semaphore_mem>>)
        %add3A_417 = arith.constant 4 : i32
        %add3A_418 = arith.addi %add3A_169, %add3A_417 : i32
        %dma_start3A_419 = arith.constant 0 : i32
        %dma_start3A_420 = tpu.memref_slice %arg3[%add3A, %add3A_418, %dma_start3A_419] : memref<32x125x80xi32, #tpu.memory_space<hbm>> -> memref<1x1x80xi32, #tpu.memory_space<hbm>>
        %dma_start3A_421 = tpu.memref_squeeze %dma_start3A_420 : memref<1x1x80xi32, #tpu.memory_space<hbm>> -> memref<80xi32, #tpu.memory_space<hbm>>
        %dma_start3A_422 = arith.constant 0 : i32
        %dma_start3A_423 = tpu.memref_slice %arg3[%add3A, %add3A_418, %dma_start3A_422] : memref<32x125x80xi32, #tpu.memory_space<hbm>> -> memref<1x1x80xi32, #tpu.memory_space<hbm>>
        %dma_start3A_424 = tpu.memref_squeeze %dma_start3A_423 : memref<1x1x80xi32, #tpu.memory_space<hbm>> -> memref<80xi32, #tpu.memory_space<hbm>>
        tpu.enqueue_dma source(%dma_start3A_424 : memref<80xi32, #tpu.memory_space<hbm>>) target(%arg12 : memref<80xi32, #tpu.memory_space<vmem>>) target_semaphore(%arg28 : memref<!tpu.dma_semaphore, #tpu.memory_space<semaphore_mem>>)
      } else {
      }
      %add3A_229 = arith.constant 1 : i32
      %add3A_230 = arith.addi %add3A_167, %add3A_229 : i32
      %dma_wait3A_231 = arith.constant 0 : i32
      %dma_wait3A_232 = arith.constant 0 : i32
      %dma_wait3A_233 = tpu.memref_slice %arg4[%dma_wait3A_231, %dma_wait3A_232] : memref<10000x128xf32, #tpu.memory_space<hbm>> -> memref<10000x128xf32, #tpu.memory_space<hbm>>
      tpu.wait_indirect_dma semaphore(%arg25 : memref<!tpu.dma_semaphore, #tpu.memory_space<semaphore_mem>>) src(%dma_wait3A_233 : memref<10000x128xf32, #tpu.memory_space<hbm>>) dst(%arg21 : memref<80x128xf32, #tpu.memory_space<vmem>>)
      %dma_wait3A_234 = arith.constant 0 : i32
      %dma_wait3A_235 = arith.constant 0 : i32
      %dma_wait3A_236 = tpu.memref_slice %arg7[%dma_wait3A_234, %dma_wait3A_235] : memref<10000x128xf32, #tpu.memory_space<vmem_shared>> -> memref<10000x128xf32, #tpu.memory_space<vmem_shared>>
      tpu.wait_indirect_dma semaphore(%arg32 : memref<!tpu.dma_semaphore, #tpu.memory_space<semaphore_mem>>) src(%arg20 : memref<80x128xf32, #tpu.memory_space<vmem>>) dst(%dma_wait3A_236 : memref<10000x128xf32, #tpu.memory_space<vmem_shared>>)
      %add3A_237 = arith.constant 3 : i32
      %add3A_238 = arith.addi %add3A_230, %add3A_237 : i32
      %lt3A_239 = arith.constant 125 : i32
      %lt3A_240 = arith.cmpi slt, %add3A_238, %lt3A_239 : i32
      %convert_element_type3A_241 = arith.extui %lt3A_240 : i1 to i32
      %cond3A_242 = arith.constant 0 : i32
      %cond3A_243 = arith.cmpi ne, %convert_element_type3A_241, %cond3A_242 : i32
      scf.if %cond3A_243 {
        %add3A_409 = arith.constant 3 : i32
        %add3A_410 = arith.addi %add3A_230, %add3A_409 : i32
        %dma_wait3A_411 = arith.constant 0 : i32
        %dma_wait3A_412 = tpu.memref_slice %arg2[%add3A, %add3A_410, %dma_wait3A_411] : memref<32x125x80xi32, #tpu.memory_space<hbm>> -> memref<1x1x80xi32, #tpu.memory_space<hbm>>
        %dma_wait3A_413 = tpu.memref_squeeze %dma_wait3A_412 : memref<1x1x80xi32, #tpu.memory_space<hbm>> -> memref<80xi32, #tpu.memory_space<hbm>>
        %dma_wait3A_414 = arith.constant 0 : i32
        %dma_wait3A_415 = tpu.memref_slice %arg2[%add3A, %add3A_410, %dma_wait3A_414] : memref<32x125x80xi32, #tpu.memory_space<hbm>> -> memref<1x1x80xi32, #tpu.memory_space<hbm>>
        %dma_wait3A_416 = tpu.memref_squeeze %dma_wait3A_415 : memref<1x1x80xi32, #tpu.memory_space<hbm>> -> memref<80xi32, #tpu.memory_space<hbm>>
        tpu.wait_dma2 semaphore(%arg28 : memref<!tpu.dma_semaphore, #tpu.memory_space<semaphore_mem>>) src(%dma_wait3A_416 : memref<80xi32, #tpu.memory_space<hbm>>) dst(%arg8 : memref<80xi32, #tpu.memory_space<vmem>>)
        %add3A_417 = arith.constant 3 : i32
        %add3A_418 = arith.addi %add3A_230, %add3A_417 : i32
        %dma_wait3A_419 = arith.constant 0 : i32
        %dma_wait3A_420 = tpu.memref_slice %arg3[%add3A, %add3A_418, %dma_wait3A_419] : memref<32x125x80xi32, #tpu.memory_space<hbm>> -> memref<1x1x80xi32, #tpu.memory_space<hbm>>
        %dma_wait3A_421 = tpu.memref_squeeze %dma_wait3A_420 : memref<1x1x80xi32, #tpu.memory_space<hbm>> -> memref<80xi32, #tpu.memory_space<hbm>>
        %dma_wait3A_422 = arith.constant 0 : i32
        %dma_wait3A_423 = tpu.memref_slice %arg3[%add3A, %add3A_418, %dma_wait3A_422] : memref<32x125x80xi32, #tpu.memory_space<hbm>> -> memref<1x1x80xi32, #tpu.memory_space<hbm>>
        %dma_wait3A_424 = tpu.memref_squeeze %dma_wait3A_423 : memref<1x1x80xi32, #tpu.memory_space<hbm>> -> memref<80xi32, #tpu.memory_space<hbm>>
        tpu.wait_dma2 semaphore(%arg28 : memref<!tpu.dma_semaphore, #tpu.memory_space<semaphore_mem>>) src(%dma_wait3A_424 : memref<80xi32, #tpu.memory_space<hbm>>) dst(%arg12 : memref<80xi32, #tpu.memory_space<vmem>>)
        %dma_start3A_425 = arith.constant 0 : i32
        %dma_start3A_426 = arith.constant 0 : i32
        %dma_start3A_427 = tpu.memref_slice %arg4[%dma_start3A_425, %dma_start3A_426] : memref<10000x128xf32, #tpu.memory_space<hbm>> -> memref<10000x128xf32, #tpu.memory_space<hbm>>
        tpu.enqueue_indirect_dma source(%dma_start3A_427 : memref<10000x128xf32, #tpu.memory_space<hbm>>) target(%arg20 : memref<80x128xf32, #tpu.memory_space<vmem>>) offsets(%arg8 : memref<80xi32, #tpu.memory_space<vmem>>) semaphore(%arg24 : memref<!tpu.dma_semaphore, #tpu.memory_space<semaphore_mem>>)
      } else {
      }
      %get3A_244 = arith.constant 0 : index
      %get3A_245 = tpu.vector_load %arg13[%get3A_244] {strides = array<i32>} : memref<80xi32, #tpu.memory_space<vmem>>, vector<16xi32>,
      %get3A_246 = vector.shape_cast %get3A_245 : vector<16xi32> to vector<16xi32>
      %swap3A_247 = arith.constant 0 : index
      %swap3A_248 = tpu.vector_load %arg17[%swap3A_247] {strides = array<i32>} : memref<80xi32, #tpu.memory_space<vmem>>, vector<16xi32>,
      %swap3A_249 = vector.shape_cast %swap3A_248 : vector<16xi32> to vector<16xi32>
      %swap3A_250 = vector.shape_cast %get3A_246 : vector<16xi32> to vector<16xi32>
      tpu.vector_store %arg17[%swap3A_247], %swap3A_250 {strides = array<i32>} : memref<80xi32, #tpu.memory_space<vmem>>, vector<16xi32>,
      %get3A_251 = arith.constant 16 : index
      %get3A_252 = tpu.vector_load %arg13[%get3A_251] {strides = array<i32>} : memref<80xi32, #tpu.memory_space<vmem>>, vector<16xi32>,
      %get3A_253 = vector.shape_cast %get3A_252 : vector<16xi32> to vector<16xi32>
      %swap3A_254 = arith.constant 16 : index
      %swap3A_255 = tpu.vector_load %arg17[%swap3A_254] {strides = array<i32>} : memref<80xi32, #tpu.memory_space<vmem>>, vector<16xi32>,
      %swap3A_256 = vector.shape_cast %swap3A_255 : vector<16xi32> to vector<16xi32>
      %swap3A_257 = vector.shape_cast %get3A_253 : vector<16xi32> to vector<16xi32>
      tpu.vector_store %arg17[%swap3A_254], %swap3A_257 {strides = array<i32>} : memref<80xi32, #tpu.memory_space<vmem>>, vector<16xi32>,
      %get3A_258 = arith.constant 32 : index
      %get3A_259 = tpu.vector_load %arg13[%get3A_258] {strides = array<i32>} : memref<80xi32, #tpu.memory_space<vmem>>, vector<16xi32>,
      %get3A_260 = vector.shape_cast %get3A_259 : vector<16xi32> to vector<16xi32>
      %swap3A_261 = arith.constant 32 : index
      %swap3A_262 = tpu.vector_load %arg17[%swap3A_261] {strides = array<i32>} : memref<80xi32, #tpu.memory_space<vmem>>, vector<16xi32>,
      %swap3A_263 = vector.shape_cast %swap3A_262 : vector<16xi32> to vector<16xi32>
      %swap3A_264 = vector.shape_cast %get3A_260 : vector<16xi32> to vector<16xi32>
      tpu.vector_store %arg17[%swap3A_261], %swap3A_264 {strides = array<i32>} : memref<80xi32, #tpu.memory_space<vmem>>, vector<16xi32>,
      %get3A_265 = arith.constant 48 : index
      %get3A_266 = tpu.vector_load %arg13[%get3A_265] {strides = array<i32>} : memref<80xi32, #tpu.memory_space<vmem>>, vector<16xi32>,
      %get3A_267 = vector.shape_cast %get3A_266 : vector<16xi32> to vector<16xi32>
      %swap3A_268 = arith.constant 48 : index
      %swap3A_269 = tpu.vector_load %arg17[%swap3A_268] {strides = array<i32>} : memref<80xi32, #tpu.memory_space<vmem>>, vector<16xi32>,
      %swap3A_270 = vector.shape_cast %swap3A_269 : vector<16xi32> to vector<16xi32>
      %swap3A_271 = vector.shape_cast %get3A_267 : vector<16xi32> to vector<16xi32>
      tpu.vector_store %arg17[%swap3A_268], %swap3A_271 {strides = array<i32>} : memref<80xi32, #tpu.memory_space<vmem>>, vector<16xi32>,
      %get3A_272 = arith.constant 64 : index
      %get3A_273 = tpu.vector_load %arg13[%get3A_272] {strides = array<i32>} : memref<80xi32, #tpu.memory_space<vmem>>, vector<16xi32>,
      %get3A_274 = vector.shape_cast %get3A_273 : vector<16xi32> to vector<16xi32>
      %swap3A_275 = arith.constant 64 : index
      %swap3A_276 = tpu.vector_load %arg17[%swap3A_275] {strides = array<i32>} : memref<80xi32, #tpu.memory_space<vmem>>, vector<16xi32>,
      %swap3A_277 = vector.shape_cast %swap3A_276 : vector<16xi32> to vector<16xi32>
      %swap3A_278 = vector.shape_cast %get3A_274 : vector<16xi32> to vector<16xi32>
      tpu.vector_store %arg17[%swap3A_275], %swap3A_278 {strides = array<i32>} : memref<80xi32, #tpu.memory_space<vmem>>, vector<16xi32>,
      %dma_start3A_279 = arith.constant 0 : i32
      %dma_start3A_280 = arith.constant 0 : i32
      %dma_start3A_281 = tpu.memref_slice %arg7[%dma_start3A_279, %dma_start3A_280] : memref<10000x128xf32, #tpu.memory_space<vmem_shared>> -> memref<10000x128xf32, #tpu.memory_space<vmem_shared>>
      tpu.enqueue_indirect_dma source(%arg21 : memref<80x128xf32, #tpu.memory_space<vmem>>) target(%dma_start3A_281 : memref<10000x128xf32, #tpu.memory_space<vmem_shared>>) offsets(%arg17 : memref<80xi32, #tpu.memory_space<vmem>>) semaphore(%arg33 : memref<!tpu.dma_semaphore, #tpu.memory_space<semaphore_mem>>) {add = true}
      %add3A_282 = arith.constant 4 : i32
      %add3A_283 = arith.addi %add3A_230, %add3A_282 : i32
      %lt3A_284 = arith.constant 125 : i32
      %lt3A_285 = arith.cmpi slt, %add3A_283, %lt3A_284 : i32
      %convert_element_type3A_286 = arith.extui %lt3A_285 : i1 to i32
      %cond3A_287 = arith.constant 0 : i32
      %cond3A_288 = arith.cmpi ne, %convert_element_type3A_286, %cond3A_287 : i32
      scf.if %cond3A_288 {
        %add3A_409 = arith.constant 4 : i32
        %add3A_410 = arith.addi %add3A_230, %add3A_409 : i32
        %dma_start3A_411 = arith.constant 0 : i32
        %dma_start3A_412 = tpu.memref_slice %arg2[%add3A, %add3A_410, %dma_start3A_411] : memref<32x125x80xi32, #tpu.memory_space<hbm>> -> memref<1x1x80xi32, #tpu.memory_space<hbm>>
        %dma_start3A_413 = tpu.memref_squeeze %dma_start3A_412 : memref<1x1x80xi32, #tpu.memory_space<hbm>> -> memref<80xi32, #tpu.memory_space<hbm>>
        %dma_start3A_414 = arith.constant 0 : i32
        %dma_start3A_415 = tpu.memref_slice %arg2[%add3A, %add3A_410, %dma_start3A_414] : memref<32x125x80xi32, #tpu.memory_space<hbm>> -> memref<1x1x80xi32, #tpu.memory_space<hbm>>
        %dma_start3A_416 = tpu.memref_squeeze %dma_start3A_415 : memref<1x1x80xi32, #tpu.memory_space<hbm>> -> memref<80xi32, #tpu.memory_space<hbm>>
        tpu.enqueue_dma source(%dma_start3A_416 : memref<80xi32, #tpu.memory_space<hbm>>) target(%arg9 : memref<80xi32, #tpu.memory_space<vmem>>) target_semaphore(%arg29 : memref<!tpu.dma_semaphore, #tpu.memory_space<semaphore_mem>>)
        %add3A_417 = arith.constant 4 : i32
        %add3A_418 = arith.addi %add3A_230, %add3A_417 : i32
        %dma_start3A_419 = arith.constant 0 : i32
        %dma_start3A_420 = tpu.memref_slice %arg3[%add3A, %add3A_418, %dma_start3A_419] : memref<32x125x80xi32, #tpu.memory_space<hbm>> -> memref<1x1x80xi32, #tpu.memory_space<hbm>>
        %dma_start3A_421 = tpu.memref_squeeze %dma_start3A_420 : memref<1x1x80xi32, #tpu.memory_space<hbm>> -> memref<80xi32, #tpu.memory_space<hbm>>
        %dma_start3A_422 = arith.constant 0 : i32
        %dma_start3A_423 = tpu.memref_slice %arg3[%add3A, %add3A_418, %dma_start3A_422] : memref<32x125x80xi32, #tpu.memory_space<hbm>> -> memref<1x1x80xi32, #tpu.memory_space<hbm>>
        %dma_start3A_424 = tpu.memref_squeeze %dma_start3A_423 : memref<1x1x80xi32, #tpu.memory_space<hbm>> -> memref<80xi32, #tpu.memory_space<hbm>>
        tpu.enqueue_dma source(%dma_start3A_424 : memref<80xi32, #tpu.memory_space<hbm>>) target(%arg13 : memref<80xi32, #tpu.memory_space<vmem>>) target_semaphore(%arg29 : memref<!tpu.dma_semaphore, #tpu.memory_space<semaphore_mem>>)
      } else {
      }
      %add3A_289 = arith.constant 2 : i32
      %add3A_290 = arith.addi %add3A_167, %add3A_289 : i32
      %dma_wait3A_291 = arith.constant 0 : i32
      %dma_wait3A_292 = arith.constant 0 : i32
      %dma_wait3A_293 = tpu.memref_slice %arg4[%dma_wait3A_291, %dma_wait3A_292] : memref<10000x128xf32, #tpu.memory_space<hbm>> -> memref<10000x128xf32, #tpu.memory_space<hbm>>
      tpu.wait_indirect_dma semaphore(%arg26 : memref<!tpu.dma_semaphore, #tpu.memory_space<semaphore_mem>>) src(%dma_wait3A_293 : memref<10000x128xf32, #tpu.memory_space<hbm>>) dst(%arg22 : memref<80x128xf32, #tpu.memory_space<vmem>>)
      %dma_wait3A_294 = arith.constant 0 : i32
      %dma_wait3A_295 = arith.constant 0 : i32
      %dma_wait3A_296 = tpu.memref_slice %arg7[%dma_wait3A_294, %dma_wait3A_295] : memref<10000x128xf32, #tpu.memory_space<vmem_shared>> -> memref<10000x128xf32, #tpu.memory_space<vmem_shared>>
      tpu.wait_indirect_dma semaphore(%arg33 : memref<!tpu.dma_semaphore, #tpu.memory_space<semaphore_mem>>) src(%arg21 : memref<80x128xf32, #tpu.memory_space<vmem>>) dst(%dma_wait3A_296 : memref<10000x128xf32, #tpu.memory_space<vmem_shared>>)
      %add3A_297 = arith.constant 3 : i32
      %add3A_298 = arith.addi %add3A_290, %add3A_297 : i32
      %lt3A_299 = arith.constant 125 : i32
      %lt3A_300 = arith.cmpi slt, %add3A_298, %lt3A_299 : i32
      %convert_element_type3A_301 = arith.extui %lt3A_300 : i1 to i32
      %cond3A_302 = arith.constant 0 : i32
      %cond3A_303 = arith.cmpi ne, %convert_element_type3A_301, %cond3A_302 : i32
      scf.if %cond3A_303 {
        %add3A_409 = arith.constant 3 : i32
        %add3A_410 = arith.addi %add3A_290, %add3A_409 : i32
        %dma_wait3A_411 = arith.constant 0 : i32
        %dma_wait3A_412 = tpu.memref_slice %arg2[%add3A, %add3A_410, %dma_wait3A_411] : memref<32x125x80xi32, #tpu.memory_space<hbm>> -> memref<1x1x80xi32, #tpu.memory_space<hbm>>
        %dma_wait3A_413 = tpu.memref_squeeze %dma_wait3A_412 : memref<1x1x80xi32, #tpu.memory_space<hbm>> -> memref<80xi32, #tpu.memory_space<hbm>>
        %dma_wait3A_414 = arith.constant 0 : i32
        %dma_wait3A_415 = tpu.memref_slice %arg2[%add3A, %add3A_410, %dma_wait3A_414] : memref<32x125x80xi32, #tpu.memory_space<hbm>> -> memref<1x1x80xi32, #tpu.memory_space<hbm>>
        %dma_wait3A_416 = tpu.memref_squeeze %dma_wait3A_415 : memref<1x1x80xi32, #tpu.memory_space<hbm>> -> memref<80xi32, #tpu.memory_space<hbm>>
        tpu.wait_dma2 semaphore(%arg29 : memref<!tpu.dma_semaphore, #tpu.memory_space<semaphore_mem>>) src(%dma_wait3A_416 : memref<80xi32, #tpu.memory_space<hbm>>) dst(%arg9 : memref<80xi32, #tpu.memory_space<vmem>>)
        %add3A_417 = arith.constant 3 : i32
        %add3A_418 = arith.addi %add3A_290, %add3A_417 : i32
        %dma_wait3A_419 = arith.constant 0 : i32
        %dma_wait3A_420 = tpu.memref_slice %arg3[%add3A, %add3A_418, %dma_wait3A_419] : memref<32x125x80xi32, #tpu.memory_space<hbm>> -> memref<1x1x80xi32, #tpu.memory_space<hbm>>
        %dma_wait3A_421 = tpu.memref_squeeze %dma_wait3A_420 : memref<1x1x80xi32, #tpu.memory_space<hbm>> -> memref<80xi32, #tpu.memory_space<hbm>>
        %dma_wait3A_422 = arith.constant 0 : i32
        %dma_wait3A_423 = tpu.memref_slice %arg3[%add3A, %add3A_418, %dma_wait3A_422] : memref<32x125x80xi32, #tpu.memory_space<hbm>> -> memref<1x1x80xi32, #tpu.memory_space<hbm>>
        %dma_wait3A_424 = tpu.memref_squeeze %dma_wait3A_423 : memref<1x1x80xi32, #tpu.memory_space<hbm>> -> memref<80xi32, #tpu.memory_space<hbm>>
        tpu.wait_dma2 semaphore(%arg29 : memref<!tpu.dma_semaphore, #tpu.memory_space<semaphore_mem>>) src(%dma_wait3A_424 : memref<80xi32, #tpu.memory_space<hbm>>) dst(%arg13 : memref<80xi32, #tpu.memory_space<vmem>>)
        %dma_start3A_425 = arith.constant 0 : i32
        %dma_start3A_426 = arith.constant 0 : i32
        %dma_start3A_427 = tpu.memref_slice %arg4[%dma_start3A_425, %dma_start3A_426] : memref<10000x128xf32, #tpu.memory_space<hbm>> -> memref<10000x128xf32, #tpu.memory_space<hbm>>
        tpu.enqueue_indirect_dma source(%dma_start3A_427 : memref<10000x128xf32, #tpu.memory_space<hbm>>) target(%arg21 : memref<80x128xf32, #tpu.memory_space<vmem>>) offsets(%arg9 : memref<80xi32, #tpu.memory_space<vmem>>) semaphore(%arg25 : memref<!tpu.dma_semaphore, #tpu.memory_space<semaphore_mem>>)
      } else {
      }
      %get3A_304 = arith.constant 0 : index
      %get3A_305 = tpu.vector_load %arg14[%get3A_304] {strides = array<i32>} : memref<80xi32, #tpu.memory_space<vmem>>, vector<16xi32>,
      %get3A_306 = vector.shape_cast %get3A_305 : vector<16xi32> to vector<16xi32>
      %swap3A_307 = arith.constant 0 : index
      %swap3A_308 = tpu.vector_load %arg18[%swap3A_307] {strides = array<i32>} : memref<80xi32, #tpu.memory_space<vmem>>, vector<16xi32>,
      %swap3A_309 = vector.shape_cast %swap3A_308 : vector<16xi32> to vector<16xi32>
      %swap3A_310 = vector.shape_cast %get3A_306 : vector<16xi32> to vector<16xi32>
      tpu.vector_store %arg18[%swap3A_307], %swap3A_310 {strides = array<i32>} : memref<80xi32, #tpu.memory_space<vmem>>, vector<16xi32>,
      %get3A_311 = arith.constant 16 : index
      %get3A_312 = tpu.vector_load %arg14[%get3A_311] {strides = array<i32>} : memref<80xi32, #tpu.memory_space<vmem>>, vector<16xi32>,
      %get3A_313 = vector.shape_cast %get3A_312 : vector<16xi32> to vector<16xi32>
      %swap3A_314 = arith.constant 16 : index
      %swap3A_315 = tpu.vector_load %arg18[%swap3A_314] {strides = array<i32>} : memref<80xi32, #tpu.memory_space<vmem>>, vector<16xi32>,
      %swap3A_316 = vector.shape_cast %swap3A_315 : vector<16xi32> to vector<16xi32>
      %swap3A_317 = vector.shape_cast %get3A_313 : vector<16xi32> to vector<16xi32>
      tpu.vector_store %arg18[%swap3A_314], %swap3A_317 {strides = array<i32>} : memref<80xi32, #tpu.memory_space<vmem>>, vector<16xi32>,
      %get3A_318 = arith.constant 32 : index
      %get3A_319 = tpu.vector_load %arg14[%get3A_318] {strides = array<i32>} : memref<80xi32, #tpu.memory_space<vmem>>, vector<16xi32>,
      %get3A_320 = vector.shape_cast %get3A_319 : vector<16xi32> to vector<16xi32>
      %swap3A_321 = arith.constant 32 : index
      %swap3A_322 = tpu.vector_load %arg18[%swap3A_321] {strides = array<i32>} : memref<80xi32, #tpu.memory_space<vmem>>, vector<16xi32>,
      %swap3A_323 = vector.shape_cast %swap3A_322 : vector<16xi32> to vector<16xi32>
      %swap3A_324 = vector.shape_cast %get3A_320 : vector<16xi32> to vector<16xi32>
      tpu.vector_store %arg18[%swap3A_321], %swap3A_324 {strides = array<i32>} : memref<80xi32, #tpu.memory_space<vmem>>, vector<16xi32>,
      %get3A_325 = arith.constant 48 : index
      %get3A_326 = tpu.vector_load %arg14[%get3A_325] {strides = array<i32>} : memref<80xi32, #tpu.memory_space<vmem>>, vector<16xi32>,
      %get3A_327 = vector.shape_cast %get3A_326 : vector<16xi32> to vector<16xi32>
      %swap3A_328 = arith.constant 48 : index
      %swap3A_329 = tpu.vector_load %arg18[%swap3A_328] {strides = array<i32>} : memref<80xi32, #tpu.memory_space<vmem>>, vector<16xi32>,
      %swap3A_330 = vector.shape_cast %swap3A_329 : vector<16xi32> to vector<16xi32>
      %swap3A_331 = vector.shape_cast %get3A_327 : vector<16xi32> to vector<16xi32>
      tpu.vector_store %arg18[%swap3A_328], %swap3A_331 {strides = array<i32>} : memref<80xi32, #tpu.memory_space<vmem>>, vector<16xi32>,
      %get3A_332 = arith.constant 64 : index
      %get3A_333 = tpu.vector_load %arg14[%get3A_332] {strides = array<i32>} : memref<80xi32, #tpu.memory_space<vmem>>, vector<16xi32>,
      %get3A_334 = vector.shape_cast %get3A_333 : vector<16xi32> to vector<16xi32>
      %swap3A_335 = arith.constant 64 : index
      %swap3A_336 = tpu.vector_load %arg18[%swap3A_335] {strides = array<i32>} : memref<80xi32, #tpu.memory_space<vmem>>, vector<16xi32>,
      %swap3A_337 = vector.shape_cast %swap3A_336 : vector<16xi32> to vector<16xi32>
      %swap3A_338 = vector.shape_cast %get3A_334 : vector<16xi32> to vector<16xi32>
      tpu.vector_store %arg18[%swap3A_335], %swap3A_338 {strides = array<i32>} : memref<80xi32, #tpu.memory_space<vmem>>, vector<16xi32>,
      %dma_start3A_339 = arith.constant 0 : i32
      %dma_start3A_340 = arith.constant 0 : i32
      %dma_start3A_341 = tpu.memref_slice %arg7[%dma_start3A_339, %dma_start3A_340] : memref<10000x128xf32, #tpu.memory_space<vmem_shared>> -> memref<10000x128xf32, #tpu.memory_space<vmem_shared>>
      tpu.enqueue_indirect_dma source(%arg22 : memref<80x128xf32, #tpu.memory_space<vmem>>) target(%dma_start3A_341 : memref<10000x128xf32, #tpu.memory_space<vmem_shared>>) offsets(%arg18 : memref<80xi32, #tpu.memory_space<vmem>>) semaphore(%arg34 : memref<!tpu.dma_semaphore, #tpu.memory_space<semaphore_mem>>) {add = true}
      %add3A_342 = arith.constant 4 : i32
      %add3A_343 = arith.addi %add3A_290, %add3A_342 : i32
      %lt3A_344 = arith.constant 125 : i32
      %lt3A_345 = arith.cmpi slt, %add3A_343, %lt3A_344 : i32
      %convert_element_type3A_346 = arith.extui %lt3A_345 : i1 to i32
      %cond3A_347 = arith.constant 0 : i32
      %cond3A_348 = arith.cmpi ne, %convert_element_type3A_346, %cond3A_347 : i32
      scf.if %cond3A_348 {
        %add3A_409 = arith.constant 4 : i32
        %add3A_410 = arith.addi %add3A_290, %add3A_409 : i32
        %dma_start3A_411 = arith.constant 0 : i32
        %dma_start3A_412 = tpu.memref_slice %arg2[%add3A, %add3A_410, %dma_start3A_411] : memref<32x125x80xi32, #tpu.memory_space<hbm>> -> memref<1x1x80xi32, #tpu.memory_space<hbm>>
        %dma_start3A_413 = tpu.memref_squeeze %dma_start3A_412 : memref<1x1x80xi32, #tpu.memory_space<hbm>> -> memref<80xi32, #tpu.memory_space<hbm>>
        %dma_start3A_414 = arith.constant 0 : i32
        %dma_start3A_415 = tpu.memref_slice %arg2[%add3A, %add3A_410, %dma_start3A_414] : memref<32x125x80xi32, #tpu.memory_space<hbm>> -> memref<1x1x80xi32, #tpu.memory_space<hbm>>
        %dma_start3A_416 = tpu.memref_squeeze %dma_start3A_415 : memref<1x1x80xi32, #tpu.memory_space<hbm>> -> memref<80xi32, #tpu.memory_space<hbm>>
        tpu.enqueue_dma source(%dma_start3A_416 : memref<80xi32, #tpu.memory_space<hbm>>) target(%arg10 : memref<80xi32, #tpu.memory_space<vmem>>) target_semaphore(%arg30 : memref<!tpu.dma_semaphore, #tpu.memory_space<semaphore_mem>>)
        %add3A_417 = arith.constant 4 : i32
        %add3A_418 = arith.addi %add3A_290, %add3A_417 : i32
        %dma_start3A_419 = arith.constant 0 : i32
        %dma_start3A_420 = tpu.memref_slice %arg3[%add3A, %add3A_418, %dma_start3A_419] : memref<32x125x80xi32, #tpu.memory_space<hbm>> -> memref<1x1x80xi32, #tpu.memory_space<hbm>>
        %dma_start3A_421 = tpu.memref_squeeze %dma_start3A_420 : memref<1x1x80xi32, #tpu.memory_space<hbm>> -> memref<80xi32, #tpu.memory_space<hbm>>
        %dma_start3A_422 = arith.constant 0 : i32
        %dma_start3A_423 = tpu.memref_slice %arg3[%add3A, %add3A_418, %dma_start3A_422] : memref<32x125x80xi32, #tpu.memory_space<hbm>> -> memref<1x1x80xi32, #tpu.memory_space<hbm>>
        %dma_start3A_424 = tpu.memref_squeeze %dma_start3A_423 : memref<1x1x80xi32, #tpu.memory_space<hbm>> -> memref<80xi32, #tpu.memory_space<hbm>>
        tpu.enqueue_dma source(%dma_start3A_424 : memref<80xi32, #tpu.memory_space<hbm>>) target(%arg14 : memref<80xi32, #tpu.memory_space<vmem>>) target_semaphore(%arg30 : memref<!tpu.dma_semaphore, #tpu.memory_space<semaphore_mem>>)
      } else {
      }
      %add3A_349 = arith.constant 3 : i32
      %add3A_350 = arith.addi %add3A_167, %add3A_349 : i32
      %dma_wait3A_351 = arith.constant 0 : i32
      %dma_wait3A_352 = arith.constant 0 : i32
      %dma_wait3A_353 = tpu.memref_slice %arg4[%dma_wait3A_351, %dma_wait3A_352] : memref<10000x128xf32, #tpu.memory_space<hbm>> -> memref<10000x128xf32, #tpu.memory_space<hbm>>
      tpu.wait_indirect_dma semaphore(%arg27 : memref<!tpu.dma_semaphore, #tpu.memory_space<semaphore_mem>>) src(%dma_wait3A_353 : memref<10000x128xf32, #tpu.memory_space<hbm>>) dst(%arg23 : memref<80x128xf32, #tpu.memory_space<vmem>>)
      %dma_wait3A_354 = arith.constant 0 : i32
      %dma_wait3A_355 = arith.constant 0 : i32
      %dma_wait3A_356 = tpu.memref_slice %arg7[%dma_wait3A_354, %dma_wait3A_355] : memref<10000x128xf32, #tpu.memory_space<vmem_shared>> -> memref<10000x128xf32, #tpu.memory_space<vmem_shared>>
      tpu.wait_indirect_dma semaphore(%arg34 : memref<!tpu.dma_semaphore, #tpu.memory_space<semaphore_mem>>) src(%arg22 : memref<80x128xf32, #tpu.memory_space<vmem>>) dst(%dma_wait3A_356 : memref<10000x128xf32, #tpu.memory_space<vmem_shared>>)
      %add3A_357 = arith.constant 3 : i32
      %add3A_358 = arith.addi %add3A_350, %add3A_357 : i32
      %lt3A_359 = arith.constant 125 : i32
      %lt3A_360 = arith.cmpi slt, %add3A_358, %lt3A_359 : i32
      %convert_element_type3A_361 = arith.extui %lt3A_360 : i1 to i32
      %cond3A_362 = arith.constant 0 : i32
      %cond3A_363 = arith.cmpi ne, %convert_element_type3A_361, %cond3A_362 : i32
      scf.if %cond3A_363 {
        %add3A_409 = arith.constant 3 : i32
        %add3A_410 = arith.addi %add3A_350, %add3A_409 : i32
        %dma_wait3A_411 = arith.constant 0 : i32
        %dma_wait3A_412 = tpu.memref_slice %arg2[%add3A, %add3A_410, %dma_wait3A_411] : memref<32x125x80xi32, #tpu.memory_space<hbm>> -> memref<1x1x80xi32, #tpu.memory_space<hbm>>
        %dma_wait3A_413 = tpu.memref_squeeze %dma_wait3A_412 : memref<1x1x80xi32, #tpu.memory_space<hbm>> -> memref<80xi32, #tpu.memory_space<hbm>>
        %dma_wait3A_414 = arith.constant 0 : i32
        %dma_wait3A_415 = tpu.memref_slice %arg2[%add3A, %add3A_410, %dma_wait3A_414] : memref<32x125x80xi32, #tpu.memory_space<hbm>> -> memref<1x1x80xi32, #tpu.memory_space<hbm>>
        %dma_wait3A_416 = tpu.memref_squeeze %dma_wait3A_415 : memref<1x1x80xi32, #tpu.memory_space<hbm>> -> memref<80xi32, #tpu.memory_space<hbm>>
        tpu.wait_dma2 semaphore(%arg30 : memref<!tpu.dma_semaphore, #tpu.memory_space<semaphore_mem>>) src(%dma_wait3A_416 : memref<80xi32, #tpu.memory_space<hbm>>) dst(%arg10 : memref<80xi32, #tpu.memory_space<vmem>>)
        %add3A_417 = arith.constant 3 : i32
        %add3A_418 = arith.addi %add3A_350, %add3A_417 : i32
        %dma_wait3A_419 = arith.constant 0 : i32
        %dma_wait3A_420 = tpu.memref_slice %arg3[%add3A, %add3A_418, %dma_wait3A_419] : memref<32x125x80xi32, #tpu.memory_space<hbm>> -> memref<1x1x80xi32, #tpu.memory_space<hbm>>
        %dma_wait3A_421 = tpu.memref_squeeze %dma_wait3A_420 : memref<1x1x80xi32, #tpu.memory_space<hbm>> -> memref<80xi32, #tpu.memory_space<hbm>>
        %dma_wait3A_422 = arith.constant 0 : i32
        %dma_wait3A_423 = tpu.memref_slice %arg3[%add3A, %add3A_418, %dma_wait3A_422] : memref<32x125x80xi32, #tpu.memory_space<hbm>> -> memref<1x1x80xi32, #tpu.memory_space<hbm>>
        %dma_wait3A_424 = tpu.memref_squeeze %dma_wait3A_423 : memref<1x1x80xi32, #tpu.memory_space<hbm>> -> memref<80xi32, #tpu.memory_space<hbm>>
        tpu.wait_dma2 semaphore(%arg30 : memref<!tpu.dma_semaphore, #tpu.memory_space<semaphore_mem>>) src(%dma_wait3A_424 : memref<80xi32, #tpu.memory_space<hbm>>) dst(%arg14 : memref<80xi32, #tpu.memory_space<vmem>>)
        %dma_start3A_425 = arith.constant 0 : i32
        %dma_start3A_426 = arith.constant 0 : i32
        %dma_start3A_427 = tpu.memref_slice %arg4[%dma_start3A_425, %dma_start3A_426] : memref<10000x128xf32, #tpu.memory_space<hbm>> -> memref<10000x128xf32, #tpu.memory_space<hbm>>
        tpu.enqueue_indirect_dma source(%dma_start3A_427 : memref<10000x128xf32, #tpu.memory_space<hbm>>) target(%arg22 : memref<80x128xf32, #tpu.memory_space<vmem>>) offsets(%arg10 : memref<80xi32, #tpu.memory_space<vmem>>) semaphore(%arg26 : memref<!tpu.dma_semaphore, #tpu.memory_space<semaphore_mem>>)
      } else {
      }
      %get3A_364 = arith.constant 0 : index
      %get3A_365 = tpu.vector_load %arg15[%get3A_364] {strides = array<i32>} : memref<80xi32, #tpu.memory_space<vmem>>, vector<16xi32>,
      %get3A_366 = vector.shape_cast %get3A_365 : vector<16xi32> to vector<16xi32>
      %swap3A_367 = arith.constant 0 : index
      %swap3A_368 = tpu.vector_load %arg19[%swap3A_367] {strides = array<i32>} : memref<80xi32, #tpu.memory_space<vmem>>, vector<16xi32>,
      %swap3A_369 = vector.shape_cast %swap3A_368 : vector<16xi32> to vector<16xi32>
      %swap3A_370 = vector.shape_cast %get3A_366 : vector<16xi32> to vector<16xi32>
      tpu.vector_store %arg19[%swap3A_367], %swap3A_370 {strides = array<i32>} : memref<80xi32, #tpu.memory_space<vmem>>, vector<16xi32>,
      %get3A_371 = arith.constant 16 : index
      %get3A_372 = tpu.vector_load %arg15[%get3A_371] {strides = array<i32>} : memref<80xi32, #tpu.memory_space<vmem>>, vector<16xi32>,
      %get3A_373 = vector.shape_cast %get3A_372 : vector<16xi32> to vector<16xi32>
      %swap3A_374 = arith.constant 16 : index
      %swap3A_375 = tpu.vector_load %arg19[%swap3A_374] {strides = array<i32>} : memref<80xi32, #tpu.memory_space<vmem>>, vector<16xi32>,
      %swap3A_376 = vector.shape_cast %swap3A_375 : vector<16xi32> to vector<16xi32>
      %swap3A_377 = vector.shape_cast %get3A_373 : vector<16xi32> to vector<16xi32>
      tpu.vector_store %arg19[%swap3A_374], %swap3A_377 {strides = array<i32>} : memref<80xi32, #tpu.memory_space<vmem>>, vector<16xi32>,
      %get3A_378 = arith.constant 32 : index
      %get3A_379 = tpu.vector_load %arg15[%get3A_378] {strides = array<i32>} : memref<80xi32, #tpu.memory_space<vmem>>, vector<16xi32>,
      %get3A_380 = vector.shape_cast %get3A_379 : vector<16xi32> to vector<16xi32>
      %swap3A_381 = arith.constant 32 : index
      %swap3A_382 = tpu.vector_load %arg19[%swap3A_381] {strides = array<i32>} : memref<80xi32, #tpu.memory_space<vmem>>, vector<16xi32>,
      %swap3A_383 = vector.shape_cast %swap3A_382 : vector<16xi32> to vector<16xi32>
      %swap3A_384 = vector.shape_cast %get3A_380 : vector<16xi32> to vector<16xi32>
      tpu.vector_store %arg19[%swap3A_381], %swap3A_384 {strides = array<i32>} : memref<80xi32, #tpu.memory_space<vmem>>, vector<16xi32>,
      %get3A_385 = arith.constant 48 : index
      %get3A_386 = tpu.vector_load %arg15[%get3A_385] {strides = array<i32>} : memref<80xi32, #tpu.memory_space<vmem>>, vector<16xi32>,
      %get3A_387 = vector.shape_cast %get3A_386 : vector<16xi32> to vector<16xi32>
      %swap3A_388 = arith.constant 48 : index
      %swap3A_389 = tpu.vector_load %arg19[%swap3A_388] {strides = array<i32>} : memref<80xi32, #tpu.memory_space<vmem>>, vector<16xi32>,
      %swap3A_390 = vector.shape_cast %swap3A_389 : vector<16xi32> to vector<16xi32>
      %swap3A_391 = vector.shape_cast %get3A_387 : vector<16xi32> to vector<16xi32>
      tpu.vector_store %arg19[%swap3A_388], %swap3A_391 {strides = array<i32>} : memref<80xi32, #tpu.memory_space<vmem>>, vector<16xi32>,
      %get3A_392 = arith.constant 64 : index
      %get3A_393 = tpu.vector_load %arg15[%get3A_392] {strides = array<i32>} : memref<80xi32, #tpu.memory_space<vmem>>, vector<16xi32>,
      %get3A_394 = vector.shape_cast %get3A_393 : vector<16xi32> to vector<16xi32>
      %swap3A_395 = arith.constant 64 : index
      %swap3A_396 = tpu.vector_load %arg19[%swap3A_395] {strides = array<i32>} : memref<80xi32, #tpu.memory_space<vmem>>, vector<16xi32>,
      %swap3A_397 = vector.shape_cast %swap3A_396 : vector<16xi32> to vector<16xi32>
      %swap3A_398 = vector.shape_cast %get3A_394 : vector<16xi32> to vector<16xi32>
      tpu.vector_store %arg19[%swap3A_395], %swap3A_398 {strides = array<i32>} : memref<80xi32, #tpu.memory_space<vmem>>, vector<16xi32>,
      %dma_start3A_399 = arith.constant 0 : i32
      %dma_start3A_400 = arith.constant 0 : i32
      %dma_start3A_401 = tpu.memref_slice %arg7[%dma_start3A_399, %dma_start3A_400] : memref<10000x128xf32, #tpu.memory_space<vmem_shared>> -> memref<10000x128xf32, #tpu.memory_space<vmem_shared>>
      tpu.enqueue_indirect_dma source(%arg23 : memref<80x128xf32, #tpu.memory_space<vmem>>) target(%dma_start3A_401 : memref<10000x128xf32, #tpu.memory_space<vmem_shared>>) offsets(%arg19 : memref<80xi32, #tpu.memory_space<vmem>>) semaphore(%arg35 : memref<!tpu.dma_semaphore, #tpu.memory_space<semaphore_mem>>) {add = true}
      %add3A_402 = arith.constant 4 : i32
      %add3A_403 = arith.addi %add3A_350, %add3A_402 : i32
      %lt3A_404 = arith.constant 125 : i32
      %lt3A_405 = arith.cmpi slt, %add3A_403, %lt3A_404 : i32
      %convert_element_type3A_406 = arith.extui %lt3A_405 : i1 to i32
      %cond3A_407 = arith.constant 0 : i32
      %cond3A_408 = arith.cmpi ne, %convert_element_type3A_406, %cond3A_407 : i32
      scf.if %cond3A_408 {
        %add3A_409 = arith.constant 4 : i32
        %add3A_410 = arith.addi %add3A_350, %add3A_409 : i32
        %dma_start3A_411 = arith.constant 0 : i32
        %dma_start3A_412 = tpu.memref_slice %arg2[%add3A, %add3A_410, %dma_start3A_411] : memref<32x125x80xi32, #tpu.memory_space<hbm>> -> memref<1x1x80xi32, #tpu.memory_space<hbm>>
        %dma_start3A_413 = tpu.memref_squeeze %dma_start3A_412 : memref<1x1x80xi32, #tpu.memory_space<hbm>> -> memref<80xi32, #tpu.memory_space<hbm>>
        %dma_start3A_414 = arith.constant 0 : i32
        %dma_start3A_415 = tpu.memref_slice %arg2[%add3A, %add3A_410, %dma_start3A_414] : memref<32x125x80xi32, #tpu.memory_space<hbm>> -> memref<1x1x80xi32, #tpu.memory_space<hbm>>
        %dma_start3A_416 = tpu.memref_squeeze %dma_start3A_415 : memref<1x1x80xi32, #tpu.memory_space<hbm>> -> memref<80xi32, #tpu.memory_space<hbm>>
        tpu.enqueue_dma source(%dma_start3A_416 : memref<80xi32, #tpu.memory_space<hbm>>) target(%arg11 : memref<80xi32, #tpu.memory_space<vmem>>) target_semaphore(%arg31 : memref<!tpu.dma_semaphore, #tpu.memory_space<semaphore_mem>>)
        %add3A_417 = arith.constant 4 : i32
        %add3A_418 = arith.addi %add3A_350, %add3A_417 : i32
        %dma_start3A_419 = arith.constant 0 : i32
        %dma_start3A_420 = tpu.memref_slice %arg3[%add3A, %add3A_418, %dma_start3A_419] : memref<32x125x80xi32, #tpu.memory_space<hbm>> -> memref<1x1x80xi32, #tpu.memory_space<hbm>>
        %dma_start3A_421 = tpu.memref_squeeze %dma_start3A_420 : memref<1x1x80xi32, #tpu.memory_space<hbm>> -> memref<80xi32, #tpu.memory_space<hbm>>
        %dma_start3A_422 = arith.constant 0 : i32
        %dma_start3A_423 = tpu.memref_slice %arg3[%add3A, %add3A_418, %dma_start3A_422] : memref<32x125x80xi32, #tpu.memory_space<hbm>> -> memref<1x1x80xi32, #tpu.memory_space<hbm>>
        %dma_start3A_424 = tpu.memref_squeeze %dma_start3A_423 : memref<1x1x80xi32, #tpu.memory_space<hbm>> -> memref<80xi32, #tpu.memory_space<hbm>>
        tpu.enqueue_dma source(%dma_start3A_424 : memref<80xi32, #tpu.memory_space<hbm>>) target(%arg15 : memref<80xi32, #tpu.memory_space<vmem>>) target_semaphore(%arg31 : memref<!tpu.dma_semaphore, #tpu.memory_space<semaphore_mem>>)
      } else {
      }
    }
    %scan3A_111 = arith.constant 31 : i32
    %dma_wait3A_112 = arith.constant 0 : i32
    %dma_wait3A_113 = arith.constant 0 : i32
    %dma_wait3A_114 = tpu.memref_slice %arg4[%dma_wait3A_112, %dma_wait3A_113] : memref<10000x128xf32, #tpu.memory_space<hbm>> -> memref<10000x128xf32, #tpu.memory_space<hbm>>
    tpu.wait_indirect_dma semaphore(%arg24 : memref<!tpu.dma_semaphore, #tpu.memory_space<semaphore_mem>>) src(%dma_wait3A_114 : memref<10000x128xf32, #tpu.memory_space<hbm>>) dst(%arg20 : memref<80x128xf32, #tpu.memory_space<vmem>>)
    %dma_wait3A_115 = arith.constant 0 : i32
    %dma_wait3A_116 = arith.constant 0 : i32
    %dma_wait3A_117 = tpu.memref_slice %arg7[%dma_wait3A_115, %dma_wait3A_116] : memref<10000x128xf32, #tpu.memory_space<vmem_shared>> -> memref<10000x128xf32, #tpu.memory_space<vmem_shared>>
    tpu.wait_indirect_dma semaphore(%arg35 : memref<!tpu.dma_semaphore, #tpu.memory_space<semaphore_mem>>) src(%arg23 : memref<80x128xf32, #tpu.memory_space<vmem>>) dst(%dma_wait3A_117 : memref<10000x128xf32, #tpu.memory_space<vmem_shared>>)
    %get3A = arith.constant 0 : index
    %get3A_118 = tpu.vector_load %arg12[%get3A] {strides = array<i32>} : memref<80xi32, #tpu.memory_space<vmem>>, vector<16xi32>,
    %get3A_119 = vector.shape_cast %get3A_118 : vector<16xi32> to vector<16xi32>
    %swap3A = arith.constant 0 : index
    %swap3A_120 = tpu.vector_load %arg16[%swap3A] {strides = array<i32>} : memref<80xi32, #tpu.memory_space<vmem>>, vector<16xi32>,
    %swap3A_121 = vector.shape_cast %swap3A_120 : vector<16xi32> to vector<16xi32>
    %swap3A_122 = vector.shape_cast %get3A_119 : vector<16xi32> to vector<16xi32>
    tpu.vector_store %arg16[%swap3A], %swap3A_122 {strides = array<i32>} : memref<80xi32, #tpu.memory_space<vmem>>, vector<16xi32>,
    %get3A_123 = arith.constant 16 : index
    %get3A_124 = tpu.vector_load %arg12[%get3A_123] {strides = array<i32>} : memref<80xi32, #tpu.memory_space<vmem>>, vector<16xi32>,
    %get3A_125 = vector.shape_cast %get3A_124 : vector<16xi32> to vector<16xi32>
    %swap3A_126 = arith.constant 16 : index
    %swap3A_127 = tpu.vector_load %arg16[%swap3A_126] {strides = array<i32>} : memref<80xi32, #tpu.memory_space<vmem>>, vector<16xi32>,
    %swap3A_128 = vector.shape_cast %swap3A_127 : vector<16xi32> to vector<16xi32>
    %swap3A_129 = vector.shape_cast %get3A_125 : vector<16xi32> to vector<16xi32>
    tpu.vector_store %arg16[%swap3A_126], %swap3A_129 {strides = array<i32>} : memref<80xi32, #tpu.memory_space<vmem>>, vector<16xi32>,
    %get3A_130 = arith.constant 32 : index
    %get3A_131 = tpu.vector_load %arg12[%get3A_130] {strides = array<i32>} : memref<80xi32, #tpu.memory_space<vmem>>, vector<16xi32>,
    %get3A_132 = vector.shape_cast %get3A_131 : vector<16xi32> to vector<16xi32>
    %swap3A_133 = arith.constant 32 : index
    %swap3A_134 = tpu.vector_load %arg16[%swap3A_133] {strides = array<i32>} : memref<80xi32, #tpu.memory_space<vmem>>, vector<16xi32>,
    %swap3A_135 = vector.shape_cast %swap3A_134 : vector<16xi32> to vector<16xi32>
    %swap3A_136 = vector.shape_cast %get3A_132 : vector<16xi32> to vector<16xi32>
    tpu.vector_store %arg16[%swap3A_133], %swap3A_136 {strides = array<i32>} : memref<80xi32, #tpu.memory_space<vmem>>, vector<16xi32>,
    %get3A_137 = arith.constant 48 : index
    %get3A_138 = tpu.vector_load %arg12[%get3A_137] {strides = array<i32>} : memref<80xi32, #tpu.memory_space<vmem>>, vector<16xi32>,
    %get3A_139 = vector.shape_cast %get3A_138 : vector<16xi32> to vector<16xi32>
    %swap3A_140 = arith.constant 48 : index
    %swap3A_141 = tpu.vector_load %arg16[%swap3A_140] {strides = array<i32>} : memref<80xi32, #tpu.memory_space<vmem>>, vector<16xi32>,
    %swap3A_142 = vector.shape_cast %swap3A_141 : vector<16xi32> to vector<16xi32>
    %swap3A_143 = vector.shape_cast %get3A_139 : vector<16xi32> to vector<16xi32>
    tpu.vector_store %arg16[%swap3A_140], %swap3A_143 {strides = array<i32>} : memref<80xi32, #tpu.memory_space<vmem>>, vector<16xi32>,
    %get3A_144 = arith.constant 64 : index
    %get3A_145 = tpu.vector_load %arg12[%get3A_144] {strides = array<i32>} : memref<80xi32, #tpu.memory_space<vmem>>, vector<16xi32>,
    %get3A_146 = vector.shape_cast %get3A_145 : vector<16xi32> to vector<16xi32>
    %swap3A_147 = arith.constant 64 : index
    %swap3A_148 = tpu.vector_load %arg16[%swap3A_147] {strides = array<i32>} : memref<80xi32, #tpu.memory_space<vmem>>, vector<16xi32>,
    %swap3A_149 = vector.shape_cast %swap3A_148 : vector<16xi32> to vector<16xi32>
    %swap3A_150 = vector.shape_cast %get3A_146 : vector<16xi32> to vector<16xi32>
    tpu.vector_store %arg16[%swap3A_147], %swap3A_150 {strides = array<i32>} : memref<80xi32, #tpu.memory_space<vmem>>, vector<16xi32>,
    %dma_start3A_151 = arith.constant 0 : i32
    %dma_start3A_152 = arith.constant 0 : i32
    %dma_start3A_153 = tpu.memref_slice %arg7[%dma_start3A_151, %dma_start3A_152] : memref<10000x128xf32, #tpu.memory_space<vmem_shared>> -> memref<10000x128xf32, #tpu.memory_space<vmem_shared>>
    tpu.enqueue_indirect_dma source(%arg20 : memref<80x128xf32, #tpu.memory_space<vmem>>) target(%dma_start3A_153 : memref<10000x128xf32, #tpu.memory_space<vmem_shared>>) offsets(%arg16 : memref<80xi32, #tpu.memory_space<vmem>>) semaphore(%arg32 : memref<!tpu.dma_semaphore, #tpu.memory_space<semaphore_mem>>) {add = true}
    %dma_wait3A_154 = arith.constant 0 : i32
    %dma_wait3A_155 = arith.constant 0 : i32
    %dma_wait3A_156 = tpu.memref_slice %arg7[%dma_wait3A_154, %dma_wait3A_155] : memref<10000x128xf32, #tpu.memory_space<vmem_shared>> -> memref<10000x128xf32, #tpu.memory_space<vmem_shared>>
    tpu.wait_indirect_dma semaphore(%arg32 : memref<!tpu.dma_semaphore, #tpu.memory_space<semaphore_mem>>) src(%arg20 : memref<80x128xf32, #tpu.memory_space<vmem>>) dst(%dma_wait3A_156 : memref<10000x128xf32, #tpu.memory_space<vmem_shared>>)
    %barrier3A_157 = arith.constant 0 : index
    tpu.barrier barrier_id(%barrier3A_157)
    %lt3A_158 = arith.constant 10 : i32
    %lt3A_159 = arith.cmpi slt, %arg1, %lt3A_158 : i32
    %convert_element_type3A_160 = arith.extui %lt3A_159 : i1 to i32
    %cond3A_161 = arith.constant 0 : i32
    %cond3A_162 = arith.cmpi ne, %convert_element_type3A_160, %cond3A_161 : i32
    scf.if %cond3A_162 {
      %mul3A_163 = arith.constant 1000 : i32
      %mul3A_164 = arith.muli %arg1, %mul3A_163 : i32
      "tpu.region"() ({
        %run_scoped3A = tpu.sem_alloc : memref<!tpu.dma_semaphore, #tpu.memory_space<semaphore_mem>>
        %dma_start3A_165 = arith.constant 0 : i32
        %dma_start3A_166 = tpu.memref_slice %arg6[%arg0, %mul3A_164, %dma_start3A_165] : memref<2x10000x128xf32, #tpu.memory_space<hbm>> -> memref<1x1000x128xf32, #tpu.memory_space<hbm>>
        %dma_start3A_167 = tpu.memref_squeeze %dma_start3A_166 : memref<1x1000x128xf32, #tpu.memory_space<hbm>> -> memref<1000x128xf32, #tpu.memory_space<hbm>>
        %dma_start3A_168 = arith.constant 0 : i32
        %dma_start3A_169 = tpu.memref_slice %arg7[%mul3A_164, %dma_start3A_168] : memref<10000x128xf32, #tpu.memory_space<vmem_shared>> -> memref<1000x128xf32, #tpu.memory_space<vmem_shared>>
        tpu.enqueue_dma source(%dma_start3A_169 : memref<1000x128xf32, #tpu.memory_space<vmem_shared>>) target(%dma_start3A_167 : memref<1000x128xf32, #tpu.memory_space<hbm>>) target_semaphore(%run_scoped3A : memref<!tpu.dma_semaphore, #tpu.memory_space<semaphore_mem>>)
        %dma_wait3A_170 = arith.constant 0 : i32
        %dma_wait3A_171 = tpu.memref_slice %arg6[%arg0, %mul3A_164, %dma_wait3A_170] : memref<2x10000x128xf32, #tpu.memory_space<hbm>> -> memref<1x1000x128xf32, #tpu.memory_space<hbm>>
        %dma_wait3A_172 = tpu.memref_squeeze %dma_wait3A_171 : memref<1x1000x128xf32, #tpu.memory_space<hbm>> -> memref<1000x128xf32, #tpu.memory_space<hbm>>
        %dma_wait3A_173 = arith.constant 0 : i32
        %dma_wait3A_174 = tpu.memref_slice %arg7[%mul3A_164, %dma_wait3A_173] : memref<10000x128xf32, #tpu.memory_space<vmem_shared>> -> memref<1000x128xf32, #tpu.memory_space<vmem_shared>>
        tpu.wait_dma2 semaphore(%run_scoped3A : memref<!tpu.dma_semaphore, #tpu.memory_space<semaphore_mem>>) src(%dma_wait3A_174 : memref<1000x128xf32, #tpu.memory_space<vmem_shared>>) dst(%dma_wait3A_172 : memref<1000x128xf32, #tpu.memory_space<hbm>>)
        tpu.yield
      }) : () -> ()
    } else {
    }
    return
  }
}

module attributes {stable_mosaic.version = 14 : i64} {
  func.func @_dense1_body(%arg0: i32, %arg1: memref<1000x128xf32, #tpu.memory_space<vmem>>, %arg2: memref<1000x16xf32, #tpu.memory_space<vmem>>, %arg3: memref<1000x16xf32, #tpu.memory_space<vmem>>, %arg4: memref<1000x8xf32, #tpu.memory_space<vmem>>, %arg5: memref<1000x8xf32, #tpu.memory_space<vmem>>, %arg6: memref<16x64xf32, #tpu.memory_space<vmem>>, %arg7: memref<1x64xf32, #tpu.memory_space<vmem>>, %arg8: memref<192x128xf32, #tpu.memory_space<vmem>>, %arg9: memref<192x128xf32, #tpu.memory_space<vmem>>, %arg10: memref<1x128xf32, #tpu.memory_space<vmem>>, %arg11: memref<1000x128xf32, #tpu.memory_space<vmem>>, %arg12: memref<1000x128xf32, #tpu.memory_space<vmem>>) attributes {dimension_semantics = [#tpu.dimension_semantics<arbitrary>], iteration_bounds = array<i64: 10>, scalar_prefetch = 0 : i64, scratch_operands = 0 : i64, tpu.core_type = #tpu.core_type<tc>, window_params = [{transform_indices = @transform_0, window_bounds = array<i64: 1000, 128>}, {transform_indices = @transform_1, window_bounds = array<i64: 1000, 16>}, {transform_indices = @transform_2, window_bounds = array<i64: 1000, 16>}, {transform_indices = @transform_3, window_bounds = array<i64: 1000, 8>}, {transform_indices = @transform_4, window_bounds = array<i64: 1000, 8>}, {pipeline_mode = #tpu.pipeline_mode<synchronous>, transform_indices = @transform_5, window_bounds = array<i64: 16, 64>}, {pipeline_mode = #tpu.pipeline_mode<synchronous>, transform_indices = @transform_6, window_bounds = array<i64: 1, 64>}, {pipeline_mode = #tpu.pipeline_mode<synchronous>, transform_indices = @transform_7, window_bounds = array<i64: 192, 128>}, {pipeline_mode = #tpu.pipeline_mode<synchronous>, transform_indices = @transform_8, window_bounds = array<i64: 192, 128>}, {pipeline_mode = #tpu.pipeline_mode<synchronous>, transform_indices = @transform_9, window_bounds = array<i64: 1, 128>}, {transform_indices = @transform_10, window_bounds = array<i64: 1000, 128>}, {transform_indices = @transform_11, window_bounds = array<i64: 1000, 128>}]} {
    %get3A = arith.constant 0 : index
    %get3A_0 = arith.constant 0 : index
    %get3A_1 = vector.load %arg1[%get3A, %get3A_0] : memref<1000x128xf32, #tpu.memory_space<vmem>>, vector<1000x128xf32>
    %get3A_2 = arith.constant 0 : index
    %get3A_3 = arith.constant 0 : index
    %get3A_4 = vector.load %arg2[%get3A_2, %get3A_3] : memref<1000x16xf32, #tpu.memory_space<vmem>>, vector<1000x16xf32>
    %get3A_5 = arith.constant 0 : index
    %get3A_6 = arith.constant 0 : index
    %get3A_7 = vector.load %arg3[%get3A_5, %get3A_6] : memref<1000x16xf32, #tpu.memory_space<vmem>>, vector<1000x16xf32>
    %add3A = arith.addf %get3A_4, %get3A_7 : vector<1000x16xf32>
    %get3A_8 = arith.constant 0 : index
    %get3A_9 = arith.constant 0 : index
    %get3A_10 = vector.load %arg4[%get3A_8, %get3A_9] : memref<1000x8xf32, #tpu.memory_space<vmem>>, vector<1000x8xf32>
    %get3A_11 = arith.constant 0 : index
    %get3A_12 = arith.constant 0 : index
    %get3A_13 = vector.load %arg5[%get3A_11, %get3A_12] : memref<1000x8xf32, #tpu.memory_space<vmem>>, vector<1000x8xf32>
    %add3A_14 = arith.addf %get3A_10, %get3A_13 : vector<1000x8xf32>
    %slice3A = vector.extract_strided_slice %add3A_14 {offsets = [0, 0], sizes = [1000, 1], strides = [1, 1]} : vector<1000x8xf32> to vector<1000x1xf32>
    %add3A_15 = arith.constant 1.000000e+00 : f32
    %add3A_16 = vector.broadcast %add3A_15 : f32 to vector<1000x1xf32>
    %add3A_17 = arith.addf %slice3A, %add3A_16 : vector<1000x1xf32>
    %rsqrt3A = math.rsqrt %add3A_17 : vector<1000x1xf32>
    %get3A_18 = arith.constant 0 : index
    %get3A_19 = arith.constant 0 : index
    %get3A_20 = vector.load %arg6[%get3A_18, %get3A_19] : memref<16x64xf32, #tpu.memory_space<vmem>>, vector<16x64xf32>
    %dot_general3A = arith.constant dense<0.000000e+00> : vector<1000x64xf32>
    %dot_general3A_21 = tpu.matmul %add3A, %get3A_20, %dot_general3A {dimension_numbers = #tpu.dot_dimension_numbers<[1], [0], [0], [1], [0, 0, 1, 1], [], []>, transpose_lhs_hint = false} : vector<1000x16xf32>, vector<16x64xf32>, vector<1000x64xf32> -> vector<1000x64xf32>
    %get3A_22 = arith.constant 0 : index
    %get3A_23 = arith.constant 0 : index
    %get3A_24 = vector.load %arg7[%get3A_22, %get3A_23] : memref<1x64xf32, #tpu.memory_space<vmem>>, vector<1x64xf32>
    %add3A_25 = vector.broadcast %get3A_24 : vector<1x64xf32> to vector<1000x64xf32>
    %add3A_26 = arith.addf %dot_general3A_21, %add3A_25 : vector<1000x64xf32>
    %ge3A = arith.constant 0.000000e+00 : f32
    %ge3A_27 = vector.broadcast %ge3A : f32 to vector<1000x64xf32>
    %ge3A_28 = arith.cmpf oge, %add3A_26, %ge3A_27 : vector<1000x64xf32>
    %mul3A = arith.constant 0.00999999977 : f32
    %mul3A_29 = vector.broadcast %mul3A : f32 to vector<1000x64xf32>
    %mul3A_30 = arith.mulf %mul3A_29, %add3A_26 : vector<1000x64xf32>
    %select_n3A = arith.select %ge3A_28, %add3A_26, %mul3A_30 : vector<1000x64xi1>, vector<1000x64xf32>
    %concatenate3A = tpu.concatenate %get3A_1, %select_n3A in 1 : vector<1000x128xf32>, vector<1000x64xf32> -> vector<1000x192xf32>
    %get3A_31 = arith.constant 0 : index
    %get3A_32 = arith.constant 0 : index
    %get3A_33 = vector.load %arg8[%get3A_31, %get3A_32] : memref<192x128xf32, #tpu.memory_space<vmem>>, vector<192x128xf32>
    %dot_general3A_34 = arith.constant dense<0.000000e+00> : vector<1000x128xf32>
    %dot_general3A_35 = tpu.matmul %concatenate3A, %get3A_33, %dot_general3A_34 {dimension_numbers = #tpu.dot_dimension_numbers<[1], [0], [0], [1], [0, 0, 1, 1], [], []>, transpose_lhs_hint = false} : vector<1000x192xf32>, vector<192x128xf32>, vector<1000x128xf32> -> vector<1000x128xf32>
    %get3A_36 = arith.constant 0 : index
    %get3A_37 = arith.constant 0 : index
    %get3A_38 = vector.load %arg9[%get3A_36, %get3A_37] : memref<192x128xf32, #tpu.memory_space<vmem>>, vector<192x128xf32>
    %dot_general3A_39 = arith.constant dense<0.000000e+00> : vector<1000x128xf32>
    %dot_general3A_40 = tpu.matmul %concatenate3A, %get3A_38, %dot_general3A_39 {dimension_numbers = #tpu.dot_dimension_numbers<[1], [0], [0], [1], [0, 0, 1, 1], [], []>, transpose_lhs_hint = false} : vector<1000x192xf32>, vector<192x128xf32>, vector<1000x128xf32> -> vector<1000x128xf32>
    %mul3A_41 = vector.broadcast %rsqrt3A : vector<1000x1xf32> to vector<1000x128xf32>
    %mul3A_42 = arith.mulf %dot_general3A_35, %mul3A_41 : vector<1000x128xf32>
    %swap3A = arith.constant 0 : index
    %swap3A_43 = arith.constant 0 : index
    %swap3A_44 = vector.load %arg11[%swap3A, %swap3A_43] : memref<1000x128xf32, #tpu.memory_space<vmem>>, vector<1000x128xf32>
    tpu.vector_store %arg11[%swap3A, %swap3A_43], %mul3A_42 {strides = array<i32>} : memref<1000x128xf32, #tpu.memory_space<vmem>>, vector<1000x128xf32>,
    %get3A_45 = arith.constant 0 : index
    %get3A_46 = arith.constant 0 : index
    %get3A_47 = vector.load %arg10[%get3A_45, %get3A_46] : memref<1x128xf32, #tpu.memory_space<vmem>>, vector<1x128xf32>
    %add3A_48 = vector.broadcast %get3A_47 : vector<1x128xf32> to vector<1000x128xf32>
    %add3A_49 = arith.addf %dot_general3A_40, %add3A_48 : vector<1000x128xf32>
    %swap3A_50 = arith.constant 0 : index
    %swap3A_51 = arith.constant 0 : index
    %swap3A_52 = vector.load %arg12[%swap3A_50, %swap3A_51] : memref<1000x128xf32, #tpu.memory_space<vmem>>, vector<1000x128xf32>
    tpu.vector_store %arg12[%swap3A_50, %swap3A_51], %add3A_49 {strides = array<i32>} : memref<1000x128xf32, #tpu.memory_space<vmem>>, vector<1000x128xf32>,
    return
  }
  func.func @transform_0(%arg0: i32) -> (i32, i32) {
    %c0_i32 = arith.constant 0 : i32
    %c0_i32_0 = arith.constant 0 : i32
    return %arg0, %c0_i32 : i32, i32
  }
  func.func @transform_1(%arg0: i32) -> (i32, i32) {
    %c0_i32 = arith.constant 0 : i32
    %c0_i32_0 = arith.constant 0 : i32
    return %arg0, %c0_i32 : i32, i32
  }
  func.func @transform_2(%arg0: i32) -> (i32, i32) {
    %c0_i32 = arith.constant 0 : i32
    %c0_i32_0 = arith.constant 0 : i32
    return %arg0, %c0_i32 : i32, i32
  }
  func.func @transform_3(%arg0: i32) -> (i32, i32) {
    %c0_i32 = arith.constant 0 : i32
    %c0_i32_0 = arith.constant 0 : i32
    return %arg0, %c0_i32 : i32, i32
  }
  func.func @transform_4(%arg0: i32) -> (i32, i32) {
    %c0_i32 = arith.constant 0 : i32
    %c0_i32_0 = arith.constant 0 : i32
    return %arg0, %c0_i32 : i32, i32
  }
  func.func @transform_5(%arg0: i32) -> (i32, i32) {
    %c0_i32 = arith.constant 0 : i32
    %c0_i32_0 = arith.constant 0 : i32
    %c0_i32_1 = arith.constant 0 : i32
    return %c0_i32, %c0_i32_0 : i32, i32
  }
  func.func @transform_6(%arg0: i32) -> (i32, i32) {
    %c0_i32 = arith.constant 0 : i32
    %c0_i32_0 = arith.constant 0 : i32
    %c0_i32_1 = arith.constant 0 : i32
    return %c0_i32, %c0_i32_0 : i32, i32
  }
  func.func @transform_7(%arg0: i32) -> (i32, i32) {
    %c0_i32 = arith.constant 0 : i32
    %c0_i32_0 = arith.constant 0 : i32
    %c0_i32_1 = arith.constant 0 : i32
    return %c0_i32, %c0_i32_0 : i32, i32
  }
  func.func @transform_8(%arg0: i32) -> (i32, i32) {
    %c0_i32 = arith.constant 0 : i32
    %c0_i32_0 = arith.constant 0 : i32
    %c0_i32_1 = arith.constant 0 : i32
    return %c0_i32, %c0_i32_0 : i32, i32
  }
  func.func @transform_9(%arg0: i32) -> (i32, i32) {
    %c0_i32 = arith.constant 0 : i32
    %c0_i32_0 = arith.constant 0 : i32
    %c0_i32_1 = arith.constant 0 : i32
    return %c0_i32, %c0_i32_0 : i32, i32
  }
  func.func @transform_10(%arg0: i32) -> (i32, i32) {
    %c0_i32 = arith.constant 0 : i32
    %c0_i32_0 = arith.constant 0 : i32
    return %arg0, %c0_i32 : i32, i32
  }
  func.func @transform_11(%arg0: i32) -> (i32, i32) {
    %c0_i32 = arith.constant 0 : i32
    %c0_i32_0 = arith.constant 0 : i32
    return %arg0, %c0_i32 : i32, i32
  }
}

module attributes {stable_mosaic.version = 14 : i64} {
  func.func @_dense2_body(%arg0: i32, %arg1: memref<1000x128xf32, #tpu.memory_space<vmem>>, %arg2: memref<1000x128xf32, #tpu.memory_space<vmem>>, %arg3: memref<1000x128xf32, #tpu.memory_space<vmem>>, %arg4: memref<1000x128xf32, #tpu.memory_space<vmem>>, %arg5: memref<1000x8xf32, #tpu.memory_space<vmem>>, %arg6: memref<1000x8xf32, #tpu.memory_space<vmem>>, %arg7: memref<1000x128xf32, #tpu.memory_space<vmem>>) attributes {dimension_semantics = [#tpu.dimension_semantics<arbitrary>], iteration_bounds = array<i64: 10>, scalar_prefetch = 0 : i64, scratch_operands = 0 : i64, tpu.core_type = #tpu.core_type<tc>, window_params = [{transform_indices = @transform_0, window_bounds = array<i64: 1000, 128>}, {transform_indices = @transform_1, window_bounds = array<i64: 1000, 128>}, {transform_indices = @transform_2, window_bounds = array<i64: 1000, 128>}, {transform_indices = @transform_3, window_bounds = array<i64: 1000, 128>}, {transform_indices = @transform_4, window_bounds = array<i64: 1000, 8>}, {transform_indices = @transform_5, window_bounds = array<i64: 1000, 8>}, {transform_indices = @transform_6, window_bounds = array<i64: 1000, 128>}]} {
    %get3A = arith.constant 0 : index
    %get3A_0 = arith.constant 0 : index
    %get3A_1 = vector.load %arg5[%get3A, %get3A_0] : memref<1000x8xf32, #tpu.memory_space<vmem>>, vector<1000x8xf32>
    %get3A_2 = arith.constant 0 : index
    %get3A_3 = arith.constant 0 : index
    %get3A_4 = vector.load %arg6[%get3A_2, %get3A_3] : memref<1000x8xf32, #tpu.memory_space<vmem>>, vector<1000x8xf32>
    %add3A = arith.addf %get3A_1, %get3A_4 : vector<1000x8xf32>
    %slice3A = vector.extract_strided_slice %add3A {offsets = [0, 0], sizes = [1000, 1], strides = [1, 1]} : vector<1000x8xf32> to vector<1000x1xf32>
    %add3A_5 = arith.constant 1.000000e+00 : f32
    %add3A_6 = vector.broadcast %add3A_5 : f32 to vector<1000x1xf32>
    %add3A_7 = arith.addf %slice3A, %add3A_6 : vector<1000x1xf32>
    %rsqrt3A = math.rsqrt %add3A_7 : vector<1000x1xf32>
    %get3A_8 = arith.constant 0 : index
    %get3A_9 = arith.constant 0 : index
    %get3A_10 = vector.load %arg1[%get3A_8, %get3A_9] : memref<1000x128xf32, #tpu.memory_space<vmem>>, vector<1000x128xf32>
    %get3A_11 = arith.constant 0 : index
    %get3A_12 = arith.constant 0 : index
    %get3A_13 = vector.load %arg2[%get3A_11, %get3A_12] : memref<1000x128xf32, #tpu.memory_space<vmem>>, vector<1000x128xf32>
    %add3A_14 = arith.addf %get3A_10, %get3A_13 : vector<1000x128xf32>
    %get3A_15 = arith.constant 0 : index
    %get3A_16 = arith.constant 0 : index
    %get3A_17 = vector.load %arg3[%get3A_15, %get3A_16] : memref<1000x128xf32, #tpu.memory_space<vmem>>, vector<1000x128xf32>
    %add3A_18 = arith.addf %add3A_14, %get3A_17 : vector<1000x128xf32>
    %mul3A = vector.broadcast %rsqrt3A : vector<1000x1xf32> to vector<1000x128xf32>
    %mul3A_19 = arith.mulf %mul3A, %add3A_18 : vector<1000x128xf32>
    %get3A_20 = arith.constant 0 : index
    %get3A_21 = arith.constant 0 : index
    %get3A_22 = vector.load %arg4[%get3A_20, %get3A_21] : memref<1000x128xf32, #tpu.memory_space<vmem>>, vector<1000x128xf32>
    %add3A_23 = arith.addf %mul3A_19, %get3A_22 : vector<1000x128xf32>
    %max3A = arith.constant 0.000000e+00 : f32
    %max3A_24 = vector.broadcast %max3A : f32 to vector<1000x128xf32>
    %max3A_25 = arith.maximumf %add3A_23, %max3A_24 : vector<1000x128xf32>
    %swap3A = arith.constant 0 : index
    %swap3A_26 = arith.constant 0 : index
    %swap3A_27 = vector.load %arg7[%swap3A, %swap3A_26] : memref<1000x128xf32, #tpu.memory_space<vmem>>, vector<1000x128xf32>
    tpu.vector_store %arg7[%swap3A, %swap3A_26], %max3A_25 {strides = array<i32>} : memref<1000x128xf32, #tpu.memory_space<vmem>>, vector<1000x128xf32>,
    return
  }
  func.func @transform_0(%arg0: i32) -> (i32, i32) {
    %c0_i32 = arith.constant 0 : i32
    %c0_i32_0 = arith.constant 0 : i32
    return %arg0, %c0_i32 : i32, i32
  }
  func.func @transform_1(%arg0: i32) -> (i32, i32) {
    %c0_i32 = arith.constant 0 : i32
    %c0_i32_0 = arith.constant 0 : i32
    return %arg0, %c0_i32 : i32, i32
  }
  func.func @transform_2(%arg0: i32) -> (i32, i32) {
    %c0_i32 = arith.constant 0 : i32
    %c0_i32_0 = arith.constant 0 : i32
    return %arg0, %c0_i32 : i32, i32
  }
  func.func @transform_3(%arg0: i32) -> (i32, i32) {
    %c0_i32 = arith.constant 0 : i32
    %c0_i32_0 = arith.constant 0 : i32
    return %arg0, %c0_i32 : i32, i32
  }
  func.func @transform_4(%arg0: i32) -> (i32, i32) {
    %c0_i32 = arith.constant 0 : i32
    %c0_i32_0 = arith.constant 0 : i32
    return %arg0, %c0_i32 : i32, i32
  }
  func.func @transform_5(%arg0: i32) -> (i32, i32) {
    %c0_i32 = arith.constant 0 : i32
    %c0_i32_0 = arith.constant 0 : i32
    return %arg0, %c0_i32 : i32, i32
  }
  func.func @transform_6(%arg0: i32) -> (i32, i32) {
    %c0_i32 = arith.constant 0 : i32
    %c0_i32_0 = arith.constant 0 : i32
    return %arg0, %c0_i32 : i32, i32
  }
}

</mosaic_0001>

<sc_bundles>
// kernel: _run.6.cloned.1.call-start
scs
__scs_entry_jumppad:
0x0: {  	(pc) =	sbr.rel $0x88, $3  }
0x1: {  	(tag) =	ssettag $0x0;
	lr =	simm.s32 $0x1  }
0x2: {  	[smem:$0x3F98] =	sst lr;
	_ =	strace $0xD0000000  }
0x3: {  	_ = 	snop  }
0x4: {  	_ = 	snop  }
0x5: {  	_ = 	snop  }
0x6: {  	_ = 	snop  }
0x7: {  	_ = 	snop  }
__scs_overlays_trampoline_lowered:
0x8: {  	[smem:$0x3FA7] =	sst s0  }
0x9: {  	[smem:$0x3FA8] =	sst s1  }
0xa: {  	[smem:$0x3FA9] =	sst s2  }
0xb: {  	[smem:$0x3FAA] =	sst s3  }
0xc: {  	[smem:$0x3FAB] =	sst s4  }
0xd: {  	[smem:$0x3FAC] =	sst s5  }
0xe: {  	[smem:$0x3FAD] =	sst s6  }
0xf: {  	[smem:$0x3FAE] =	sst s7  }
0x10: {  	[smem:$0x3FAF] =	sst s8  }
0x11: {  	[smem:$0x3FB0] =	sst s9;
	s0 =	simm.s32 @!p0 $0x0  }
0x12: {  	s1 =	sld [smem:$0x3F96];
	s0 =	simm.s32 @p0 $0x1  }
0x13: {  	[smem:$0x3FB1] =	sst s0;
	s0 =	simm.s32 @!p1 $0x0  }
0x14: {  	s2 =	sld [smem:$0x3F95];
	s0 =	simm.s32 @p1 $0x1  }
0x15: {  	[smem:$0x3FB2] =	sst s0;
	s0 =	simm.s32 @!p2 $0x0  }
0x16: {  	s3 =	sld [smem:$0x3FDB];
	s0 =	simm.s32 @p2 $0x1  }
0x17: {  	s4 =	simm.s32 $0x1BF5;
	[smem:$0x3FB4] =	sst s0  }
0x18: {  	s0 =	sld [smem:$0x3F97];
	_ =	swait.ge [sflag:s4], $0x0  }
0x19: {  	s7 =	sld [smem:$0x3F98]  }
0x1a: {  	s8 =	sadd.s32 $0xFFFFE003, lr  }
0x1b: {  	s9 =	sadd.s32 $0xFFFFFEF7, lr;
	s5 =	simm.s32 $0xFFFFFFFF;
	p2 =	slt.u32 s8, $0xFFFFF086  }
0x1c: {  	p1 =	slt.u32 s9, $0xF7A;
	s5 =	simm.s32 @!p2 $0x0  }
0x1d: {  	s5 =	simm.s32 @p1 $0x1;
	p0 =	seq.s32 s7, s2  }
0x1e: {  	s7 =	smul.u32 @!p0 $0xF7A, s2;
	p2 =	seq.s32 @!p0 s5, $0x0  }
0x1f: {  	s9 =	smul.u32 $0xF7A, s1;
	s8 =	simm.s32 @!p0 $0x1BF5;
	p2 =	por !p2, p0  }
0x20: {  	[sflag:s8] =	ssyncset.s32 @!p0 $0xFFFFF086;
	s6 =	sadd.s32 @!p0 s3, s7;
	s7 =	simm.s32 @!p0 $0x108  }
0x21: {  	s3 =	sadd.s32 s3, s9;
	s6 =	sadd.s32 @!p0 $0x88, s6;
	s7 =	simm.s32 @p2 $0x1082  }
0x22: {  	[simem:s7], [sflag:s8] =	dma.local @!p0 [hbm:s6], $0xF7A  }
0x23: {  	s9 =	sor.u32 $0xD0000000, s2;
	s6 =	simm.s32 $0x108;
	_ =	swait.ge @!p0 [sflag:s8], $0x0  }
0x24: {  	s3 =	sadd.s32 $0x88, s3;
	s6 =	simm.s32 @!p1 $0x1082;
	[sflag:s4] =	ssyncset.s32 $0xFFFFF086  }
0x25: {  	[simem:s6], [sflag:s4] =	dma.local [hbm:s3], $0xF7A  }
0x26: {  	[smem:$0x3F98] =	sst s1;
	(tag) =	ssettag s2;
	_ =	strace s9  }
0x27: {  	s1 =	sld [smem:$0x3FA8]  }
0x28: {  	s2 =	sld [smem:$0x3FA9]  }
0x29: {  	s4 =	sld [smem:$0x3FAB]  }
0x2a: {  	p0 =	seq.s32 s5, $0x0;
	s5 =	sld [smem:$0x3FAC]  }
0x2b: {  	s6 =	sld [smem:$0x3FAD]  }
0x2c: {  	s7 =	sld [smem:$0x3FAE]  }
0x2d: {  	s3 =	simm.s32 $0x108;
	s8 =	sld [smem:$0x3FAF]  }
0x2e: {  	s3 =	simm.s32 @!p0 $0x1082;
	s9 =	sld [smem:$0x3FB0]  }
0x2f: {  	lr =	sadd.s32 s0, s3;
	s0 =	sld [smem:$0x3FA7]  }
0x30: {  	s3 =	sld [smem:$0x3FAA]  }
0x31: {  	[smem:$0x3FB3] =	sst s10  }
0x32: {  	s10 =	sld [smem:$0x3FB1];
	_ =	sdelay $0x3  }
0x33: {  	p0 =	seq.s32 s10, $0x1;
	s10 =	sld [smem:$0x3FB3];
	_ =	sdelay $0x3  }
0x34: {  	[smem:$0x3FB3] =	sst s10  }
0x35: {  	s10 =	sld [smem:$0x3FB2];
	_ =	sdelay $0x3  }
0x36: {  	p1 =	seq.s32 s10, $0x1;
	s10 =	sld [smem:$0x3FB3];
	_ =	sdelay $0x3  }
0x37: {  	[smem:$0x3FB3] =	sst s10  }
0x38: {  	s10 =	sld [smem:$0x3FB4]  }
0x39: {  	_ = 	snop;
	(pc) =	sbr.ind lr, $3  }
0x3a: {  	_ = 	snop  }
0x3b: {  	_ = 	snop  }
0x3c: {  	p2 =	seq.s32 s10, $0x1;
	s10 =	sld [smem:$0x3FB3]  }
0x3d: {  	_ =	shalt  }
0x3e: {  	_ =	shalt  }
0x3f: {  	_ =	shalt  }
0x40: {  	_ =	shalt  }
0x41: {  	_ =	shalt  }
0x42: {  	_ =	shalt  }
0x43: {  	_ =	shalt  }
0x44: {  	_ =	shalt  }
0x45: {  	_ =	shalt  }
0x46: {  	_ =	shalt  }
0x47: {  	_ =	shalt  }
0x48: {  	_ =	shalt  }
0x49: {  	_ =	shalt  }
0x4a: {  	_ =	shalt  }
0x4b: {  	_ =	shalt  }
0x4c: {  	_ =	shalt  }
0x4d: {  	_ =	shalt  }
0x4e: {  	_ =	shalt  }
0x4f: {  	_ =	shalt  }
0x50: {  	_ =	shalt  }
0x51: {  	_ =	shalt  }
0x52: {  	_ =	shalt  }
0x53: {  	_ =	shalt  }
0x54: {  	_ =	shalt  }
0x55: {  	_ =	shalt  }
0x56: {  	_ =	shalt  }
0x57: {  	_ =	shalt  }
0x58: {  	_ =	shalt  }
0x59: {  	_ =	shalt  }
0x5a: {  	_ =	shalt  }
0x5b: {  	_ =	shalt  }
0x5c: {  	_ =	shalt  }
0x5d: {  	_ =	shalt  }
0x5e: {  	_ =	shalt  }
0x5f: {  	_ =	shalt  }
0x60: {  	_ =	shalt  }
0x61: {  	_ =	shalt  }
0x62: {  	_ =	shalt  }
0x63: {  	_ =	shalt  }
0x64: {  	_ =	shalt  }
0x65: {  	_ =	shalt  }
0x66: {  	_ =	shalt  }
0x67: {  	_ =	shalt  }
0x68: {  	_ =	shalt  }
0x69: {  	_ =	shalt  }
0x6a: {  	_ =	shalt  }
0x6b: {  	_ =	shalt  }
0x6c: {  	_ =	shalt  }
0x6d: {  	_ =	shalt  }
0x6e: {  	_ =	shalt  }
0x6f: {  	_ =	shalt  }
0x70: {  	_ =	shalt  }
0x71: {  	_ =	shalt  }
0x72: {  	_ =	shalt  }
0x73: {  	_ =	shalt  }
0x74: {  	_ =	shalt  }
0x75: {  	_ =	shalt  }
0x76: {  	_ =	shalt  }
0x77: {  	_ =	shalt  }
0x78: {  	_ =	shalt  }
0x79: {  	_ =	shalt  }
0x7a: {  	_ =	shalt  }
0x7b: {  	_ =	shalt  }
0x7c: {  	_ =	shalt  }
0x7d: {  	_ =	shalt  }
0x7e: {  	_ =	shalt  }
0x7f: {  	_ =	shalt  }
0x80: {  	_ =	shalt  }
0x81: {  	_ =	shalt  }
0x82: {  	_ =	shalt  }
0x83: {  	_ =	shalt  }
0x84: {  	_ =	shalt  }
0x85: {  	_ =	shalt  }
0x86: {  	_ =	shalt  }
0x87: {  	_ =	shalt  }
.Lfunc_end0:
.L_simem_size_0:
called_computation_lowered:
.L_overlay_start_0:
0x88: {  	s2 =	sld [smem:$0x3FD9]  }
0x89: {  	s3 =	sld [smem:$0x3FFE];
	_ =	sdelay $0x1  }
0x8a: {  	s1 =	srdreg.scid  }
0x8b: {  	s0 =	sand.u32 $0x1, s1  }
0x8c: {  	s17 =	sshll.u32 s0, $0xA;
	s2 =	sadd.s32 s3, s2  }
0x8d: {  	s2 =	sadd.s32 s2, s17  }
0x8e: {  	[smem:$0x3FBF] =	sst s2  }
0x8f: {  	_ = 	snop  }
0x90: {  	s2 =	sld [smem:$0x3FD0];
	(tm) =	ssettm $0x1  }
0x91: {  	s18 =	sld [smem:$0x3FFB];
	_ =	sdelay $0x3  }
0x92: {  	_ =	strace s18  }
0x93: {  	s3 =	sld [smem:$0x3FFC];
	_ =	sdelay $0x3  }
0x94: {  	_ =	strace s3  }
0x95: {  	s3 =	sld [smem:$0x3FFD];
	_ =	sdelay $0x3  }
0x96: {  	_ =	strace s3  }
0x97: {  	_ =	strace $0x8FFFFFFF  }
0x98: {  	s19 =	sld [smem:$0x3FDB];
	_ =	sdelay $0x1  }
0x99: {  	s4 =	simm.s32 $_scs_section_size  }
0x9a: {  	s5 =	simm.s32 $_size__tile_overlayer_lowered;
	s6 =	simm.s32 $_tile_overlayer_lowered  }
0x9b: {  	s22 =	simm.s32 $0x1BFF;
	s21 =	sshll.u32 s6, $0x1;
	s3 =	sadd.s32 s4, s19  }
0x9c: {  	s7 =	simm.s32 $0x0;
	s20 =	sshll.u32 s5, $0x1;
	s5 =	sadd.s32 s21, s3  }
0x9d: {  	[timem:s7], [sflag:s22] =	dma.local [hbm:s5], s20  }
0x9e: {  	_ =	swait.ge [sflag:s22], s20  }
0x9f: {  	s4 =	ssub.s32 $0x0, s20;
	[sflag:s22] =	ssyncset.done $0x0  }
0xa0: {  	[sflag:s22] =	ssyncadd.s32 s4;
	_ =	sdelay $0x1  }
0xa1: {  	s23 =	simm.s32 $0x1B8B  }
0xa2: {  	_ =	swait.ge [sflag:s23], $0x1  }
0xa3: {  	[sflag:s23] =	ssyncset.done $0x0  }
0xa4: {  	s25 =	simm.s32 $0x1B8E;
	s24 =	sld [smem:$0x3FFE];
	[sflag:s23] =	ssyncadd.s32 $0xFFFFFFFF  }
0xa5: {  	s26 =	simm.s32 $execute0_lowered;
	[smem:$0x3FD2] =	sst s25  }
0xa6: {  	s5 =	sshll.u32 s26, $0x1;
	_ =	strace $0x80000046;
	[dreg:$0x1] =	wrdreg $0xFFFFFFFF  }
0xa7: {  	s28 =	simm.s32 $_size_execute0_lowered;
	s3 =	sadd.s32 s3, s5;
	[dreg:$0x0] =	wrdreg $0x0  }
0xa8: {  	s5 =	sshll.u32 s28, $0x1;
	[dreg:$0x2] =	wrdreg s3  }
0xa9: {  	[dreg:$0x3] =	wrdreg s5  }
0xaa: {  	[dreg:$0x4] =	wrdreg $0xC0  }
0xab: {  	_ =	task [dreg:s7], $0x5FFFF  }
0xac: {  	[dreg:$0x1] =	wrdreg $0xFFFFFFFF  }
0xad: {  	[dreg:$0x0] =	wrdreg $0x60  }
0xae: {  	[dreg:$0x2] =	wrdreg s24  }
0xaf: {  	[dreg:$0x3] =	wrdreg s2  }
0xb0: {  	[dreg:$0x4] =	wrdreg $0x0  }
0xb1: {  	[dreg:$0x5] =	wrdreg $0x27100  }
0xb2: {  	[dreg:$0x6] =	wrdreg $0x9  }
0xb3: {  	_ =	task.clear_ibuf [dreg:s7], $0x7FFFF;
	_ =	strace $0x90000046  }
0xb4: {  	s29 =	simm.s32 $0x9;
	_ =	strace $0x80000048  }
0xb5: {  	_ =	swait.ge [sflag:s29], $0x1  }
0xb6: {  	[sflag:s29] =	ssyncadd.s32 $0xFFFFFFFF  }
0xb7: {  	_ =	strace $0x90000048  }
0xb8: {  	_ =	sfence  }
0xb9: {  	s30 =	sld [smem:$0x0];
	_ =	sdelay $0x2  }
0xba: {  	s31 =	sshll.u32 s1, $0xD;
	s1 =	sshrl.u32 s1, $0x2  }
0xbb: {  	s3 =	sand.u32 $0x4000, s31;
	s1 =	sadd.s32 s1, s30  }
0xbc: {  	s0 =	sor.u32 s3, s0;
	s1 =	sshll.u32 s1, $0x11  }
0xbd: {  	s0 =	sor.u32 s1, s0  }
0xbe: {  	s0 =	sadd.s32 $0x8F2B, s0  }
0xbf: {  	[sflag:s0] =	ssyncadd.remote.s32 $0x1  }
0xc0: {  	_ =	sfence.sel $0xFFFF  }
0xc1: {  	[dreg:$0x0] =	wrdreg $0xFFFFFFFF;
	(pc) =	sbr.abs _section_cstart, $3  }
0xc2: {  	[dreg:$0x1] =	wrdreg $0xFFFFFFFF  }
0xc3: {  	_ =	task.clear_ibuf [dreg:s7], $0x2FFFF;
	_ =	strace $0x9FFFFFFF  }
0xc4: {  	(tm) =	ssettm $0x7FFFFFFF  }
0xc5: {  	_ =	shalt  }
tec
execute0_lowered:
.L_overlay_start_1:
0x0: {  	(tag) =	ssettag $0x1  }
0x1: {  	s0 =	rddreg [dreg:$0x0]  }
0x2: {  	s2 =	rddreg [dreg:$0x1]  }
0x3: {  	s1 =	rddreg [dreg:$0x2]  }
0x4: {  	s3 =	rddreg [dreg:$0x3]  }
0x5: {  	s4 =	simm.s32 $0x0;
	s16 =	stileid.u32;
	s5 =	srdreg.scid  }
0x6: {  	s29 =	simm.s32 $0x400;
	s30 =	simm.s32 $0x3A98;
	s31 =	simm.s32 $0x3C98  }
0x7: {  	[smem:$0x7FF] =	sst s4;
	s8 =	smul.u32 $0x3E80, s16;
	s10 =	sand.u32 $0x1, s5  }
0x8: {  	s11 =	smul.u32 $0x1F400, s16;
	s5 =	sadd.s32 $0x16A00, s0;
	s6 =	sadd.s32 $0x24A00, s0  }
0x9: {  	s7 =	sadd.s32 $0x32A00, s0;
	s12 =	sadd.s32 $0x53BC00, s0;
	p0 =	sgt.u32 s16, $0x9  }
0xa: {  	s28 =	simm.s32 $0x80;
	_ =	strace $0x80000047;
	s9 =	smul.u32 $0x138800, s10  }
0xb: {  	[dreg:$0x5] =	wrdreg s12;
	s13 =	sshll.u32 s10, $0x4;
	s14 =	ssub.s32 $0x2, s10  }
0xc: {  	s10 =	smul.u32 $0x1388000, s10;
	s25 =	sadd.s32 s8, s0;
	s26 =	sadd.s32 s11, s1  }
0xd: {  	s13 =	sor.u32 s16, s13;
	s2 =	sadd.s32 s2, s8;
	[dreg:$0x6] =	wrdreg s26  }
0xe: {  	s15 =	sshrl.u32 s14, $0x1;
	s8 =	sadd.s32 s11, s3;
	[dreg:$0x7] =	wrdreg s2  }
0xf: {  	s9 =	sadd.s32 s11, s9;
	s14 =	ssub.s32 s14, s15;
	[dreg:$0x8] =	wrdreg s8  }
0x10: {  	s11 =	sadd.s32 $0x514A00, s25;
	s15 =	smul.u32 $0x138800, s16;
	s9 =	sshrl.u32 s9, $0x3  }
0x11: {  	[dreg:$0x9] =	wrdreg s11;
	s24 =	smax.u32 s14, $0x1;
	s11 =	simm.s32 $0x1  }
0x12: {  	s14 =	simm.s32 $0x2;
	s0 =	sadd.s32 s9, s0;
	s9 =	smul.u32 $0x3800, s13  }
0x13: {  	s13 =	smul.u32 $0x138800, s13;
	s2 =	sadd.s32 s15, s10;
	[dreg:$0x12] =	wrdreg s24  }
0x14: {  	s15 =	simm.s32 $0x4;
	s22 =	sadd.s32 $0x12C00, s2;
	s23 =	sadd.s32 $0x58AC00, s0  }
0x15: {  	s0 =	sadd.s32 $0x53CA00, s0;
	s26 =	sadd.s32 $0xC800, s2;
	[dreg:$0x10] =	wrdreg s23  }
0x16: {  	s2 =	simm.s32 $0x3D98;
	s12 =	sshrl.u32 s9, $0x3;
	[dreg:$0x11] =	wrdreg s0  }
0x17: {  	s20 =	sshrl.u32 s13, $0x3;
	[dreg:$0x14] =	wrdreg s26;
	s26 =	simm.s32 $0x5  }
0x18: {  	s0 =	simm.s32 $0x3B98;
	s13 =	simm.s32 $0xC8;
	s17 =	sadd.s32 s5, s12  }
0x19: {  	s18 =	sadd.s32 s6, s12;
	s8 =	sor.u32 $0x10, s12;
	[dreg:$0xa] =	wrdreg s17  }
0x1a: {  	s21 =	sadd.s32 s7, s20;
	s12 =	simm.s32 $0x3;
	[dreg:$0xb] =	wrdreg s18  }
.Ltmp0:
0x1b: {  	s19 =	sadd.s32 s5, s8;
	[dreg:$0xe] =	wrdreg s21;
	(pc) =	sbr.rel .LBB2_1-.Ltmp0, $4  }
0x1c: {  	s8 =	sadd.s32 s6, s8;
	s10 =	sadd.s32 $0xC80, s21;
	[dreg:$0xc] =	wrdreg s19  }
0x1d: {  	s18 =	simm.s32 $0x0;
	[dreg:$0xd] =	wrdreg s8;
	s8 =	sshrl.u32 s22, $0x3  }
0x1e: {  	[dreg:$0xf] =	wrdreg s10;
	s10 =	simm.s32 $0xA298;
	s25 =	sadd.s32 s8, s7  }
0x1f: {  	s8 =	simm.s32 $0x3E98;
	[dreg:$0x13] =	wrdreg s25;
	s25 =	simm.s32 $0x10698  }
.LBB2_4:
0x20: {  	[bflag:$0x0] =	sbarrier.arrive $0xFFFF  }
0x21: {  	s16 =	rddreg [dreg:$0x10]  }
0x22: {  	s18 =	rddreg [dreg:$0x16]  }
0x23: {  	s17 =	rddreg [dreg:$0x17]  }
0x24: {  	[hbm:s16], [sflag:s18] =	dma.local @!p0 [spmem:s17], $0x3E80  }
0x25: {  	s16 =	simm.s32 @!p0 $0x5  }
0x26: {  	_ =	swait.ge @!p0 [sflag:s16], $0x3E80  }
0x27: {  	[sflag:s16] =	ssyncset.done @!p0 $0x0;
	s17 =	rddreg [dreg:$0x11]  }
0x28: {  	s19 =	rddreg [dreg:$0x18];
	[sflag:s16] =	ssyncadd.s32 @!p0 $0xFFFFC180  }
0x29: {  	[hbm:s17], [sflag:s18] =	dma.local @!p0 [spmem:s19], $0x3E80  }
0x2a: {  	_ =	swait.ge @!p0 [sflag:s16], $0x3E80  }
0x2b: {  	s23 =	rddreg [dreg:$0x15]  }
0x2c: {  	s24 =	rddreg [dreg:$0x12];
	s18 =	sadd.s32 $0x1, s23  }
0x2d: {  	p1 =	sne.s32 s18, s24  }
.Ltmp1:
0x2e: {  	_ = 	snop;
	(pc) =	sbr.rel @!p1 .LBB2_5-.Ltmp1, $3  }
0x2f: {  	_ =	sdelay $0x1  }
0x30: {  	[sflag:s16] =	ssyncset.done @!p0 $0x0  }
0x31: {  	[sflag:s16] =	ssyncadd.s32 @!p0 $0xFFFFC180  }
.LBB2_1:
0x32: {  	[dreg:$0x15] =	wrdreg s18;
	s16 =	stileid.u32  }
0x33: {  	s17 =	sshll.u32 @!p0 s16, $0x6;
	s16 =	rddreg [dreg:$0x6]  }
0x34: {  	s18 =	sshrl.u32 @!p0 s16, $0x3;
	s16 =	rddreg [dreg:$0x7]  }
0x35: {  	s17 =	sor.u32 @!p0 $0x1C05, s17;
	[dreg:$0x17] =	wrdreg s18  }
0x36: {  	[spmem:s18], [sflag:s17] =	dma.local @!p0 [hbm:s16], $0x3E80  }
0x37: {  	s18 =	simm.s32 @!p0 $0x5  }
0x38: {  	_ =	swait.ge @!p0 [sflag:s18], $0x3E80;
	[dreg:$0x16] =	wrdreg s17  }
0x39: {  	s16 =	rddreg [dreg:$0x8]  }
0x3a: {  	[sflag:s18] =	ssyncset.done @!p0 $0x0;
	s19 =	sshrl.u32 @!p0 s16, $0x3;
	s16 =	rddreg [dreg:$0x9]  }
0x3b: {  	[sflag:s18] =	ssyncadd.s32 @!p0 $0xFFFFC180;
	[dreg:$0x18] =	wrdreg s19  }
0x3c: {  	[spmem:s19], [sflag:s17] =	dma.local @!p0 [hbm:s16], $0x3E80  }
0x3d: {  	_ =	swait.ge @!p0 [sflag:s18], $0x3E80  }
0x3e: {  	[sflag:s18] =	ssyncset.done @!p0 $0x0  }
0x3f: {  	[sflag:s18] =	ssyncadd.s32 @!p0 $0xFFFFC180;
	s18 =	rddreg [dreg:$0x5]  }
0x40: {  	[tilespmem:s25], [sflag:$0x5] =	stream.linear.gather [hbm4b:s18+s4], $0x6400, $0x38;
	[tilespmem:$0x16A98] =	vst v63  }
0x41: {  	_ =	swait.ge [sflag:s26], $0x6400  }
0x42: {  	[sflag:s26] =	ssyncset.done $0x0  }
0x43: {  	[sflag:s26] =	ssyncadd.s32 $0xFFFF9C00  }
0x44: {  	[bflag:$0x0] =	sbarrier.arrive $0xFFFF  }
0x45: {  	s19 =	rddreg [dreg:$0xa]  }
0x46: {  	s20 =	rddreg [dreg:$0xb]  }
0x47: {  	[tilespmem:s30], [sflag:$0x3] =	stream.strided.gather [hbm4b:s19+s28], $0x100, s29, s28, $0x38;
	[tilespmem:$0x16A98] =	vst v63  }
0x48: {  	s21 =	rddreg [dreg:$0xc]  }
0x49: {  	[tilespmem:s31], [sflag:$0x3] =	stream.strided.gather [hbm4b:s20+s28], $0x100, s29, s28, $0x38;
	[tilespmem:$0x16A98] =	vst v63  }
0x4a: {  	s22 =	rddreg [dreg:$0xd]  }
0x4b: {  	[tilespmem:s0], [sflag:$0x4] =	stream.strided.gather [hbm4b:s21+s28], $0x100, s29, s28, $0x38;
	[tilespmem:$0x16A98] =	vst v63  }
0x4c: {  	s23 =	rddreg [dreg:$0xe]  }
0x4d: {  	[tilespmem:s2], [sflag:$0x4] =	stream.strided.gather [hbm4b:s22+s28], $0x100, s29, s28, $0x38;
	[tilespmem:$0x16A98] =	vst v63  }
0x4e: {  	s24 =	rddreg [dreg:$0xf]  }
0x4f: {  	[tilespmem:s8], [sflag:$0x1] =	stream.linear.gather [hbm4b:s23+s4], $0x6400, $0x38;
	[tilespmem:$0x16A98] =	vst v63  }
0x50: {  	s23 =	rddreg [dreg:$0x13]  }
0x51: {  	[tilespmem:s10], [sflag:$0x2] =	stream.linear.gather [hbm4b:s24+s4], $0x6400, $0x38;
	[tilespmem:$0x16A98] =	vst v63  }
0x52: {  	s18 =	simm.s32 $0x300;
	s21 =	simm.s32 $0x180;
	s24 =	rddreg [dreg:$0x14]  }
.LBB2_2:
0x53: {  	_ =	swait.ge [sflag:s11], $0x6400  }
0x54: {  	[sflag:s11] =	ssyncset.done $0x0  }
0x55: {  	[sflag:s11] =	ssyncadd.s32 $0xFFFF9C00  }
0x56: {  	_ =	swait.ge [sflag:s12], $0x100  }
0x57: {  	[sflag:s12] =	ssyncset.done $0x0  }
0x58: {  	[sflag:s12] =	ssyncadd.s32 $0xFFFFFF00  }
0x59: {  	_ =	swait.ge [sflag:s12], $0x100  }
0x5a: {  	[sflag:s12] =	ssyncset.done $0x0  }
0x5b: {  	p1 =	seq.s32 s21, $0x1980;
	[sflag:s12] =	ssyncadd.s32 $0xFFFFFF00  }
0x5c: {  	[spmem:s1] =	stream.indirect.scatter.add.f32 [tilespmem:s8], [sflag:$0x5], $0x10, s30, s13, $0xb8;
	[tilespmem:$0x16A98] =	vst v63  }
0x5d: {  	s22 =	sadd.s32 @!p1 $0xFFFFFF00, s18;
	_ =	swait.ge [sflag:s26], $0xC80  }
0x5e: {  	s19 =	sadd.s32 @!p1 $0xFFFFFF80, s21;
	s22 =	sand.u32 @!p1 $0x7800, s22;
	[sflag:s26] =	ssyncset.done $0x0  }
0x5f: {  	s19 =	sand.u32 @!p1 $0x300, s19;
	s22 =	sadd.s32 @!p1 s9, s22;
	[sflag:s26] =	ssyncadd.s32 $0xFFFFF380  }
0x60: {  	[spmem:s3] =	stream.indirect.scatter.add.f32 [tilespmem:s25], [sflag:$0x5], $0x8, s31, s13, $0xb8;
	[tilespmem:$0x16A98] =	vst v63  }
0x61: {  	s20 =	simm.s32 @!p1 $0x80;
	s19 =	sor.u32 @!p1 s19, s22;
	_ =	swait.ge [sflag:s26], $0x640  }
0x62: {  	s17 =	simm.s32 @!p1 $0x400;
	s19 =	sshrl.u32 @!p1 s19, $0x3;
	[sflag:s26] =	ssyncset.done $0x0  }
0x63: {  	s16 =	simm.s32 @!p1 $0x3A98;
	s22 =	sadd.s32 @!p1 s5, s19;
	[sflag:s26] =	ssyncadd.s32 $0xFFFFF9C0  }
0x64: {  	[tilespmem:s16], [sflag:$0x3] =	stream.strided.gather @!p1 [hbm4b:s22+s20], $0x100, s17, s20, $0x38;
	[tilespmem:$0x16A98] =	vst v63  }
0x65: {  	s16 =	sadd.s32 @!p1 s6, s19;
	s19 =	simm.s32 @!p1 $0x3C98  }
0x66: {  	[tilespmem:s19], [sflag:$0x3] =	stream.strided.gather @!p1 [hbm4b:s16+s20], $0x100, s17, s20, $0x38;
	[tilespmem:$0x16A98] =	vst v63  }
0x67: {  	s16 =	sshrl.u32 @!p1 s24, $0x3  }
0x68: {  	s17 =	simm.s32 @!p1 $0x0;
	s19 =	simm.s32 @!p1 $0x3E98;
	s16 =	sadd.s32 @!p1 s7, s16  }
0x69: {  	[tilespmem:s19], [sflag:$0x1] =	stream.linear.gather @!p1 [hbm4b:s16+s17], $0x6400, $0x38;
	[tilespmem:$0x16A98] =	vst v63  }
0x6a: {  	_ =	swait.ge [sflag:s14], $0x6400  }
0x6b: {  	[sflag:s14] =	ssyncset.done $0x0  }
0x6c: {  	[sflag:s14] =	ssyncadd.s32 $0xFFFF9C00  }
0x6d: {  	_ =	swait.ge [sflag:s15], $0x100  }
0x6e: {  	[sflag:s15] =	ssyncset.done $0x0  }
0x6f: {  	[sflag:s15] =	ssyncadd.s32 $0xFFFFFF00  }
0x70: {  	_ =	swait.ge [sflag:s15], $0x100  }
0x71: {  	[sflag:s15] =	ssyncset.done $0x0  }
0x72: {  	[sflag:s15] =	ssyncadd.s32 $0xFFFFFF00  }
0x73: {  	[spmem:s1] =	stream.indirect.scatter.add.f32 [tilespmem:s10], [sflag:$0x5], $0x10, s0, s13, $0xb8;
	[tilespmem:$0x16A98] =	vst v63  }
0x74: {  	_ =	swait.ge [sflag:s26], $0xC80  }
0x75: {  	[sflag:s26] =	ssyncset.done $0x0  }
.Ltmp2:
0x76: {  	[sflag:s26] =	ssyncadd.s32 $0xFFFFF380;
	(pc) =	sbr.rel @p1 .LBB2_4-.Ltmp2, $4  }
0x77: {  	[spmem:s3] =	stream.indirect.scatter.add.f32 [tilespmem:s25], [sflag:$0x5], $0x8, s2, s13, $0xb8;
	[tilespmem:$0x16A98] =	vst v63  }
0x78: {  	_ =	swait.ge [sflag:s26], $0x640  }
0x79: {  	[sflag:s26] =	ssyncset.done $0x0  }
0x7a: {  	[sflag:s26] =	ssyncadd.s32 $0xFFFFF9C0  }
0x7b: {  	s16 =	sand.u32 $0x7800, s18  }
0x7c: {  	s17 =	sand.u32 $0x380, s21;
	s16 =	sadd.s32 s9, s16  }
0x7d: {  	s16 =	sor.u32 s17, s16  }
0x7e: {  	s16 =	sshrl.u32 s16, $0x3  }
0x7f: {  	s22 =	sadd.s32 s5, s16  }
0x80: {  	[tilespmem:s0], [sflag:$0x4] =	stream.strided.gather [hbm4b:s22+s28], $0x100, s29, s28, $0x38;
	[tilespmem:$0x16A98] =	vst v63  }
.Ltmp3:
0x81: {  	s16 =	sadd.s32 s6, s16;
	(pc) =	sbr.rel .LBB2_2-.Ltmp3, $4  }
0x82: {  	[tilespmem:s2], [sflag:$0x4] =	stream.strided.gather [hbm4b:s16+s28], $0x100, s29, s28, $0x38;
	[tilespmem:$0x16A98] =	vst v63  }
0x83: {  	s24 =	sadd.s32 $0xC800, s24  }
0x84: {  	[tilespmem:s10], [sflag:$0x2] =	stream.linear.gather [hbm4b:s23+s4], $0x6400, $0x38;
	[tilespmem:$0x16A98] =	vst v63  }
0x85: {  	s18 =	sadd.s32 $0x200, s18;
	s21 =	sadd.s32 $0x100, s21;
	s23 =	sadd.s32 $0x1900, s23  }
.LBB2_5:
0x86: {  	_ =	sfence.sel $0x180000  }
0x87: {  	[bflag:$0x0] =	sbarrier.arrive $0xFFFF  }
0x88: {  	_ =	strace $0x90000047  }
0x89: {  	s0 =	stileid.u32;
	[bflag:$0x2] =	sbarrier.arrive $0xFFFF  }
0x8a: {  	p0 =	sne.s32 s0, $0x0;
	s0 =	rddreg [dreg:$0x4]  }
0x8b: {  	s0 =	sadd.s32 @!p0 $0x100000, s0  }
0x8c: {  	[sflag:s0] =	ssyncadd.tile.s32 @!p0 $0x1;
	_ =	shalt  }
.Lfunc_end2:
_tile_overlayer_lowered:
.L_overlay_start_2:
0x8d: {  	(tag) =	ssettag $0x2  }
0x8e: {  	s0 =	rddreg [dreg:$0x0];
	s2 =	stileid.u32  }
0x8f: {  	s1 =	rddreg [dreg:$0x1];
	p0 =	sne.s32 s2, $0x0  }
0x90: {  	s3 =	rddreg [dreg:$0x2];
	[bflag:$0x3] =	sbarrier.arrive $0xFFFF;
	s2 =	simm.s32 @!p0 $0x1C05  }
0x91: {  	[timem:s3], [sflag:s2] =	dma.local @!p0 [hbm:s0], s1  }
0x92: {  	s0 =	simm.s32 @!p0 $0x5  }
0x93: {  	_ =	swait.ge @!p0 [sflag:s0], s1  }
0x94: {  	s1 =	ssub.s32 @!p0 $0x0, s1;
	[sflag:s0] =	ssyncset.done @!p0 $0x0  }
0x95: {  	[sflag:s0] =	ssyncadd.s32 @!p0 s1  }
0x96: {  	[bflag:$0x3] =	sbarrier.arrive $0xFFFF  }
0x97: {  	_ =	shalt  }

// kernel: _run.9.cloned.1.call-start
scs
__scs_entry_jumppad:
0x0: {  	(pc) =	sbr.rel $0x88, $3  }
0x1: {  	(tag) =	ssettag $0x0;
	lr =	simm.s32 $0x1  }
0x2: {  	[smem:$0x3F98] =	sst lr;
	_ =	strace $0xD0000000  }
0x3: {  	_ = 	snop  }
0x4: {  	_ = 	snop  }
0x5: {  	_ = 	snop  }
0x6: {  	_ = 	snop  }
0x7: {  	_ = 	snop  }
__scs_overlays_trampoline_lowered:
0x8: {  	[smem:$0x3FA7] =	sst s0  }
0x9: {  	[smem:$0x3FA8] =	sst s1  }
0xa: {  	[smem:$0x3FA9] =	sst s2  }
0xb: {  	[smem:$0x3FAA] =	sst s3  }
0xc: {  	[smem:$0x3FAB] =	sst s4  }
0xd: {  	[smem:$0x3FAC] =	sst s5  }
0xe: {  	[smem:$0x3FAD] =	sst s6  }
0xf: {  	[smem:$0x3FAE] =	sst s7  }
0x10: {  	[smem:$0x3FAF] =	sst s8  }
0x11: {  	[smem:$0x3FB0] =	sst s9;
	s0 =	simm.s32 @!p0 $0x0  }
0x12: {  	s1 =	sld [smem:$0x3F96];
	s0 =	simm.s32 @p0 $0x1  }
0x13: {  	[smem:$0x3FB1] =	sst s0;
	s0 =	simm.s32 @!p1 $0x0  }
0x14: {  	s2 =	sld [smem:$0x3F95];
	s0 =	simm.s32 @p1 $0x1  }
0x15: {  	[smem:$0x3FB2] =	sst s0;
	s0 =	simm.s32 @!p2 $0x0  }
0x16: {  	s3 =	sld [smem:$0x3FDB];
	s0 =	simm.s32 @p2 $0x1  }
0x17: {  	s4 =	simm.s32 $0x1BF5;
	[smem:$0x3FB4] =	sst s0  }
0x18: {  	s0 =	sld [smem:$0x3F97];
	_ =	swait.ge [sflag:s4], $0x0  }
0x19: {  	s7 =	sld [smem:$0x3F98]  }
0x1a: {  	s8 =	sadd.s32 $0xFFFFE003, lr  }
0x1b: {  	s9 =	sadd.s32 $0xFFFFFEF7, lr;
	s5 =	simm.s32 $0xFFFFFFFF;
	p2 =	slt.u32 s8, $0xFFFFF086  }
0x1c: {  	p1 =	slt.u32 s9, $0xF7A;
	s5 =	simm.s32 @!p2 $0x0  }
0x1d: {  	s5 =	simm.s32 @p1 $0x1;
	p0 =	seq.s32 s7, s2  }
0x1e: {  	s7 =	smul.u32 @!p0 $0xF7A, s2;
	p2 =	seq.s32 @!p0 s5, $0x0  }
0x1f: {  	s9 =	smul.u32 $0xF7A, s1;
	s8 =	simm.s32 @!p0 $0x1BF5;
	p2 =	por !p2, p0  }
0x20: {  	[sflag:s8] =	ssyncset.s32 @!p0 $0xFFFFF086;
	s6 =	sadd.s32 @!p0 s3, s7;
	s7 =	simm.s32 @!p0 $0x108  }
0x21: {  	s3 =	sadd.s32 s3, s9;
	s6 =	sadd.s32 @!p0 $0x88, s6;
	s7 =	simm.s32 @p2 $0x1082  }
0x22: {  	[simem:s7], [sflag:s8] =	dma.local @!p0 [hbm:s6], $0xF7A  }
0x23: {  	s9 =	sor.u32 $0xD0000000, s2;
	s6 =	simm.s32 $0x108;
	_ =	swait.ge @!p0 [sflag:s8], $0x0  }
0x24: {  	s3 =	sadd.s32 $0x88, s3;
	s6 =	simm.s32 @!p1 $0x1082;
	[sflag:s4] =	ssyncset.s32 $0xFFFFF086  }
0x25: {  	[simem:s6], [sflag:s4] =	dma.local [hbm:s3], $0xF7A  }
0x26: {  	[smem:$0x3F98] =	sst s1;
	(tag) =	ssettag s2;
	_ =	strace s9  }
0x27: {  	s1 =	sld [smem:$0x3FA8]  }
0x28: {  	s2 =	sld [smem:$0x3FA9]  }
0x29: {  	s4 =	sld [smem:$0x3FAB]  }
0x2a: {  	p0 =	seq.s32 s5, $0x0;
	s5 =	sld [smem:$0x3FAC]  }
0x2b: {  	s6 =	sld [smem:$0x3FAD]  }
0x2c: {  	s7 =	sld [smem:$0x3FAE]  }
0x2d: {  	s3 =	simm.s32 $0x108;
	s8 =	sld [smem:$0x3FAF]  }
0x2e: {  	s3 =	simm.s32 @!p0 $0x1082;
	s9 =	sld [smem:$0x3FB0]  }
0x2f: {  	lr =	sadd.s32 s0, s3;
	s0 =	sld [smem:$0x3FA7]  }
0x30: {  	s3 =	sld [smem:$0x3FAA]  }
0x31: {  	[smem:$0x3FB3] =	sst s10  }
0x32: {  	s10 =	sld [smem:$0x3FB1];
	_ =	sdelay $0x3  }
0x33: {  	p0 =	seq.s32 s10, $0x1;
	s10 =	sld [smem:$0x3FB3];
	_ =	sdelay $0x3  }
0x34: {  	[smem:$0x3FB3] =	sst s10  }
0x35: {  	s10 =	sld [smem:$0x3FB2];
	_ =	sdelay $0x3  }
0x36: {  	p1 =	seq.s32 s10, $0x1;
	s10 =	sld [smem:$0x3FB3];
	_ =	sdelay $0x3  }
0x37: {  	[smem:$0x3FB3] =	sst s10  }
0x38: {  	s10 =	sld [smem:$0x3FB4]  }
0x39: {  	_ = 	snop;
	(pc) =	sbr.ind lr, $3  }
0x3a: {  	_ = 	snop  }
0x3b: {  	_ = 	snop  }
0x3c: {  	p2 =	seq.s32 s10, $0x1;
	s10 =	sld [smem:$0x3FB3]  }
0x3d: {  	_ =	shalt  }
0x3e: {  	_ =	shalt  }
0x3f: {  	_ =	shalt  }
0x40: {  	_ =	shalt  }
0x41: {  	_ =	shalt  }
0x42: {  	_ =	shalt  }
0x43: {  	_ =	shalt  }
0x44: {  	_ =	shalt  }
0x45: {  	_ =	shalt  }
0x46: {  	_ =	shalt  }
0x47: {  	_ =	shalt  }
0x48: {  	_ =	shalt  }
0x49: {  	_ =	shalt  }
0x4a: {  	_ =	shalt  }
0x4b: {  	_ =	shalt  }
0x4c: {  	_ =	shalt  }
0x4d: {  	_ =	shalt  }
0x4e: {  	_ =	shalt  }
0x4f: {  	_ =	shalt  }
0x50: {  	_ =	shalt  }
0x51: {  	_ =	shalt  }
0x52: {  	_ =	shalt  }
0x53: {  	_ =	shalt  }
0x54: {  	_ =	shalt  }
0x55: {  	_ =	shalt  }
0x56: {  	_ =	shalt  }
0x57: {  	_ =	shalt  }
0x58: {  	_ =	shalt  }
0x59: {  	_ =	shalt  }
0x5a: {  	_ =	shalt  }
0x5b: {  	_ =	shalt  }
0x5c: {  	_ =	shalt  }
0x5d: {  	_ =	shalt  }
0x5e: {  	_ =	shalt  }
0x5f: {  	_ =	shalt  }
0x60: {  	_ =	shalt  }
0x61: {  	_ =	shalt  }
0x62: {  	_ =	shalt  }
0x63: {  	_ =	shalt  }
0x64: {  	_ =	shalt  }
0x65: {  	_ =	shalt  }
0x66: {  	_ =	shalt  }
0x67: {  	_ =	shalt  }
0x68: {  	_ =	shalt  }
0x69: {  	_ =	shalt  }
0x6a: {  	_ =	shalt  }
0x6b: {  	_ =	shalt  }
0x6c: {  	_ =	shalt  }
0x6d: {  	_ =	shalt  }
0x6e: {  	_ =	shalt  }
0x6f: {  	_ =	shalt  }
0x70: {  	_ =	shalt  }
0x71: {  	_ =	shalt  }
0x72: {  	_ =	shalt  }
0x73: {  	_ =	shalt  }
0x74: {  	_ =	shalt  }
0x75: {  	_ =	shalt  }
0x76: {  	_ =	shalt  }
0x77: {  	_ =	shalt  }
0x78: {  	_ =	shalt  }
0x79: {  	_ =	shalt  }
0x7a: {  	_ =	shalt  }
0x7b: {  	_ =	shalt  }
0x7c: {  	_ =	shalt  }
0x7d: {  	_ =	shalt  }
0x7e: {  	_ =	shalt  }
0x7f: {  	_ =	shalt  }
0x80: {  	_ =	shalt  }
0x81: {  	_ =	shalt  }
0x82: {  	_ =	shalt  }
0x83: {  	_ =	shalt  }
0x84: {  	_ =	shalt  }
0x85: {  	_ =	shalt  }
0x86: {  	_ =	shalt  }
0x87: {  	_ =	shalt  }
.Lfunc_end0:
.L_simem_size_0:
called_computation.1_lowered:
.L_overlay_start_0:
0x88: {  	s2 =	sld [smem:$0x3FD9]  }
0x89: {  	s3 =	sld [smem:$0x3FFE];
	_ =	sdelay $0x1  }
0x8a: {  	s1 =	srdreg.scid  }
0x8b: {  	s0 =	sand.u32 $0x1, s1  }
0x8c: {  	s17 =	sshll.u32 s0, $0xA;
	s2 =	sadd.s32 s3, s2  }
0x8d: {  	s2 =	sadd.s32 s2, s17  }
0x8e: {  	[smem:$0x3FBF] =	sst s2  }
0x8f: {  	_ = 	snop  }
0x90: {  	s2 =	sld [smem:$0x3FD0];
	(tm) =	ssettm $0x1  }
0x91: {  	s18 =	sld [smem:$0x3FFB];
	_ =	sdelay $0x3  }
0x92: {  	_ =	strace s18  }
0x93: {  	s3 =	sld [smem:$0x3FFC];
	_ =	sdelay $0x3  }
0x94: {  	_ =	strace s3  }
0x95: {  	s3 =	sld [smem:$0x3FFD];
	_ =	sdelay $0x3  }
0x96: {  	_ =	strace s3  }
0x97: {  	_ =	strace $0x8FFFFFFF  }
0x98: {  	s19 =	sld [smem:$0x3FDB];
	_ =	sdelay $0x1  }
0x99: {  	s4 =	simm.s32 $_scs_section_size  }
0x9a: {  	s5 =	simm.s32 $_size__tile_overlayer_lowered;
	s6 =	simm.s32 $_tile_overlayer_lowered  }
0x9b: {  	s22 =	simm.s32 $0x1BFF;
	s21 =	sshll.u32 s6, $0x1;
	s3 =	sadd.s32 s4, s19  }
0x9c: {  	s7 =	simm.s32 $0x0;
	s20 =	sshll.u32 s5, $0x1;
	s5 =	sadd.s32 s21, s3  }
0x9d: {  	[timem:s7], [sflag:s22] =	dma.local [hbm:s5], s20  }
0x9e: {  	_ =	swait.ge [sflag:s22], s20  }
0x9f: {  	s4 =	ssub.s32 $0x0, s20;
	[sflag:s22] =	ssyncset.done $0x0  }
0xa0: {  	[sflag:s22] =	ssyncadd.s32 s4;
	_ =	sdelay $0x1  }
0xa1: {  	s23 =	simm.s32 $0x1B8B  }
0xa2: {  	_ =	swait.ge [sflag:s23], $0x1  }
0xa3: {  	[sflag:s23] =	ssyncset.done $0x0  }
0xa4: {  	s25 =	simm.s32 $0x1B8E;
	s24 =	sld [smem:$0x3FFE];
	[sflag:s23] =	ssyncadd.s32 $0xFFFFFFFF  }
0xa5: {  	s26 =	simm.s32 $execute0_lowered;
	[smem:$0x3FD2] =	sst s25  }
0xa6: {  	s5 =	sshll.u32 s26, $0x1;
	_ =	strace $0x80000049;
	[dreg:$0x1] =	wrdreg $0xFFFFFFFF  }
0xa7: {  	s28 =	simm.s32 $_size_execute0_lowered;
	s3 =	sadd.s32 s3, s5;
	[dreg:$0x0] =	wrdreg $0x0  }
0xa8: {  	s5 =	sshll.u32 s28, $0x1;
	[dreg:$0x2] =	wrdreg s3  }
0xa9: {  	[dreg:$0x3] =	wrdreg s5  }
0xaa: {  	[dreg:$0x4] =	wrdreg $0xC0  }
0xab: {  	_ =	task [dreg:s7], $0x5FFFF  }
0xac: {  	[dreg:$0x1] =	wrdreg $0xFFFFFFFF  }
0xad: {  	[dreg:$0x0] =	wrdreg $0x60  }
0xae: {  	[dreg:$0x2] =	wrdreg s24  }
0xaf: {  	[dreg:$0x3] =	wrdreg s2  }
0xb0: {  	[dreg:$0x4] =	wrdreg $0x0  }
0xb1: {  	[dreg:$0x5] =	wrdreg $0x9  }
0xb2: {  	_ =	task.clear_ibuf [dreg:s7], $0x6FFFF;
	_ =	strace $0x90000049  }
0xb3: {  	s29 =	simm.s32 $0x9;
	_ =	strace $0x8000004B  }
0xb4: {  	_ =	swait.ge [sflag:s29], $0x1  }
0xb5: {  	[sflag:s29] =	ssyncadd.s32 $0xFFFFFFFF  }
0xb6: {  	_ =	strace $0x9000004B  }
0xb7: {  	_ =	sfence  }
0xb8: {  	s30 =	sld [smem:$0x0];
	_ =	sdelay $0x2  }
0xb9: {  	s31 =	sshll.u32 s1, $0xD;
	s1 =	sshrl.u32 s1, $0x2  }
0xba: {  	s3 =	sand.u32 $0x4000, s31;
	s1 =	sadd.s32 s1, s30  }
0xbb: {  	s0 =	sor.u32 s3, s0;
	s1 =	sshll.u32 s1, $0x11  }
0xbc: {  	s0 =	sor.u32 s1, s0  }
0xbd: {  	s0 =	sadd.s32 $0x8F2B, s0  }
0xbe: {  	[sflag:s0] =	ssyncadd.remote.s32 $0x1  }
0xbf: {  	_ =	sfence.sel $0xFFFF  }
0xc0: {  	[dreg:$0x0] =	wrdreg $0xFFFFFFFF;
	(pc) =	sbr.abs _section_cstart, $3  }
0xc1: {  	[dreg:$0x1] =	wrdreg $0xFFFFFFFF  }
0xc2: {  	_ =	task.clear_ibuf [dreg:s7], $0x2FFFF;
	_ =	strace $0x9FFFFFFF  }
0xc3: {  	(tm) =	ssettm $0x7FFFFFFF  }
tec
execute0_lowered:
.L_overlay_start_1:
0x0: {  	(tag) =	ssettag $0x1  }
0x1: {  	s0 =	rddreg [dreg:$0x0]  }
0x2: {  	s1 =	rddreg [dreg:$0x1]  }
0x3: {  	s2 =	rddreg [dreg:$0x2];
	s3 =	srdreg.scid  }
0x4: {  	s4 =	simm.s32 $0x0;
	s13 =	stileid.u32;
	s28 =	simm.s32 $0x13A00  }
0x5: {  	s29 =	simm.s32 $0x13C00;
	s30 =	simm.s32 $0x5;
	s31 =	simm.s32 $0x50  }
0x6: {  	s3 =	sand.u32 $0x1, s3;
	[smem:$0x7FF] =	sst s4;
	s8 =	smul.u32 $0x1F400, s13  }
0x7: {  	s9 =	smul.u32 $0x3E80, s13;
	s5 =	sadd.s32 $0x5D8E00, s0;
	s6 =	sadd.s32 $0x2E00, s0  }
0x8: {  	s10 =	smul.u32 $0x7D000, s13;
	s11 =	sshll.u32 s13, $0xE;
	p0 =	sgt.u32 s13, $0x9  }
0x9: {  	s7 =	smul.u32 $0x138800, s3;
	_ =	strace $0x8000004A;
	s14 =	ssub.s32 $0x2, s3  }
0xa: {  	s3 =	sshll.u32 s3, $0x12;
	s26 =	sadd.s32 s9, s0;
	s12 =	sshrl.u32 s14, $0x1  }
0xb: {  	s16 =	sshrl.u32 s10, $0x2;
	s7 =	sadd.s32 s8, s7;
	s15 =	ssub.s32 s14, s12  }
0xc: {  	s9 =	sadd.s32 s16, s2;
	s8 =	sadd.s32 $0x61200, s26;
	s12 =	simm.s32 $0x13C80  }
0xd: {  	s14 =	simm.s32 $0x9;
	s16 =	simm.s32 $0x13D80;
	s7 =	sshrl.u32 s7, $0x3  }
0xe: {  	[dreg:$0x4] =	wrdreg s8;
	s26 =	smax.u32 s15, $0x1;
	s15 =	simm.s32 $0x13D00  }
0xf: {  	s0 =	sadd.s32 s7, s0;
	s7 =	sor.u32 s11, s3;
	[dreg:$0xe] =	wrdreg s26  }
0x10: {  	s11 =	simm.s32 $0x1B680;
	s17 =	sshrl.u32 s7, $0x3;
	s0 =	sadd.s32 $0x88400, s0  }
0x11: {  	s18 =	sadd.s32 s5, s17;
	s19 =	sadd.s32 s6, s17;
	[dreg:$0xd] =	wrdreg s0  }
0x12: {  	s20 =	sor.u32 $0x10, s17;
	s21 =	sor.u32 $0x20, s17;
	[dreg:$0x5] =	wrdreg s18  }
0x13: {  	s25 =	sor.u32 $0x30, s17;
	[dreg:$0x6] =	wrdreg s19;
	s22 =	sadd.s32 s5, s20  }
0x14: {  	s0 =	simm.s32 $0x13E80;
	s8 =	sadd.s32 s6, s20;
	[dreg:$0x7] =	wrdreg s22  }
0x15: {  	s17 =	simm.s32 $0x13E00;
	s23 =	sadd.s32 s5, s21;
	[dreg:$0x8] =	wrdreg s8  }
0x16: {  	s24 =	sadd.s32 s6, s21;
	s10 =	sadd.s32 s5, s25;
	[dreg:$0x9] =	wrdreg s23  }
0x17: {  	s20 =	sshrl.u32 @!p0 s9, $0x3;
	s21 =	simm.s32 $0x13880;
	[dreg:$0xa] =	wrdreg s24  }
.Ltmp0:
0x18: {  	s9 =	simm.s32 $0x1;
	[dreg:$0xb] =	wrdreg s10;
	(pc) =	sbr.rel .LBB2_1-.Ltmp0, $4  }
0x19: {  	s8 =	sadd.s32 s6, s25;
	s22 =	simm.s32 $0x13A80;
	s24 =	simm.s32 $0x16680  }
0x1a: {  	s10 =	simm.s32 $0x8;
	[dreg:$0xc] =	wrdreg s8;
	s8 =	sshll.u32 @!p0 s13, $0x6  }
0x1b: {  	s23 =	simm.s32 $0x0;
	[dreg:$0x10] =	wrdreg s20;
	s19 =	sor.u32 @!p0 $0x1C0D, s8  }
0x1c: {  	s13 =	simm.s32 $0x2;
	s8 =	simm.s32 $0x18E80;
	[dreg:$0xf] =	wrdreg s19  }
.LBB2_4:
0x1d: {  	_ =	swait.ge [sflag:s9], $0x2800  }
0x1e: {  	[sflag:s9] =	ssyncset.done $0x0  }
0x1f: {  	s3 =	simm.s32 $0xC;
	[sflag:s9] =	ssyncadd.s32 $0xFFFFD800  }
0x20: {  	_ =	swait.ge [sflag:s3], $0x2800  }
0x21: {  	[sflag:s3] =	ssyncset.done $0x0  }
0x22: {  	[sflag:s3] =	ssyncadd.s32 $0xFFFFD800  }
0x23: {  	v0 =	vld [tilespmem:$0x13A80]  }
0x24: {  	v1 =	vld [tilespmem:$0x13A90]  }
0x25: {  	v2 =	vld [tilespmem:$0x13AA0]  }
0x26: {  	v3 =	vld [tilespmem:$0x13AB0]  }
0x27: {  	v4 =	vld [tilespmem:$0x13AC0]  }
0x28: {  	[tilespmem:$0x13C80] =	vst v0  }
0x29: {  	[tilespmem:$0x13C90] =	vst v1  }
0x2a: {  	[tilespmem:$0x13CA0] =	vst v2  }
0x2b: {  	[tilespmem:$0x13CB0] =	vst v3  }
0x2c: {  	[tilespmem:$0x13CC0] =	vst v4  }
0x2d: {  	[spmem:s2] =	stream.indirect.scatter.add.f32 [tilespmem:s0], [sflag:$0x9], $0x80, s12, s31, $0xb8;
	[tilespmem:$0x1DE80] =	vst v63  }
0x2e: {  	_ =	swait.ge [sflag:s14], $0x2800  }
0x2f: {  	[sflag:s14] =	ssyncset.done $0x0  }
0x30: {  	[sflag:s14] =	ssyncadd.s32 $0xFFFFD800  }
0x31: {  	[bflag:$0x0] =	sbarrier.arrive $0xFFFF  }
0x32: {  	s3 =	rddreg [dreg:$0xd]  }
0x33: {  	s19 =	rddreg [dreg:$0xf]  }
0x34: {  	s20 =	rddreg [dreg:$0x10]  }
0x35: {  	[hbm:s3], [sflag:s19] =	dma.local @!p0 [spmem:s20], $0x3E80  }
0x36: {  	s3 =	simm.s32 @!p0 $0xD  }
0x37: {  	_ =	swait.ge @!p0 [sflag:s3], $0x3E80  }
0x38: {  	s23 =	sadd.s32 $0x1, s23;
	s18 =	rddreg [dreg:$0xe]  }
0x39: {  	p1 =	sne.s32 s23, s18  }
.Ltmp1:
0x3a: {  	_ = 	snop;
	(pc) =	sbr.rel @!p1 .LBB2_5-.Ltmp1, $3  }
0x3b: {  	_ =	sdelay $0x1  }
0x3c: {  	[sflag:s3] =	ssyncset.done @!p0 $0x0  }
0x3d: {  	[sflag:s3] =	ssyncadd.s32 @!p0 $0xFFFFC180  }
.LBB2_1:
0x3e: {  	s3 =	rddreg [dreg:$0x4];
	s25 =	simm.s32 @!p0 $0xD  }
0x3f: {  	[spmem:s20], [sflag:s19] =	dma.local @!p0 [hbm:s3], $0x3E80  }
0x40: {  	_ =	swait.ge @!p0 [sflag:s25], $0x3E80  }
0x41: {  	[sflag:s25] =	ssyncset.done @!p0 $0x0  }
0x42: {  	[sflag:s25] =	ssyncadd.s32 @!p0 $0xFFFFC180  }
0x43: {  	[bflag:$0x0] =	sbarrier.arrive $0xFFFF  }
0x44: {  	s26 =	rddreg [dreg:$0x5]  }
0x45: {  	[tilespmem:s21], [sflag:$0x5] =	stream.linear.gather [hbm4b:s26+s4], $0x80, $0x38;
	[tilespmem:$0x1DE80] =	vst v63  }
0x46: {  	s18 =	rddreg [dreg:$0x6]  }
0x47: {  	[tilespmem:s22], [sflag:$0x5] =	stream.linear.gather [hbm4b:s18+s4], $0x80, $0x38;
	[tilespmem:$0x1DE80] =	vst v63  }
0x48: {  	s19 =	rddreg [dreg:$0x7];
	s18 =	simm.s32 $0x13900  }
0x49: {  	[tilespmem:s18], [sflag:$0x6] =	stream.linear.gather [hbm4b:s19+s4], $0x80, $0x38;
	[tilespmem:$0x1DE80] =	vst v63  }
0x4a: {  	s25 =	simm.s32 $0x13B00;
	s20 =	rddreg [dreg:$0x8]  }
0x4b: {  	[tilespmem:s25], [sflag:$0x6] =	stream.linear.gather [hbm4b:s20+s4], $0x80, $0x38;
	[tilespmem:$0x1DE80] =	vst v63  }
0x4c: {  	s26 =	rddreg [dreg:$0x9];
	s19 =	simm.s32 $0x13980  }
0x4d: {  	[tilespmem:s19], [sflag:$0x7] =	stream.linear.gather [hbm4b:s26+s4], $0x80, $0x38;
	[tilespmem:$0x1DE80] =	vst v63  }
0x4e: {  	s20 =	rddreg [dreg:$0xa];
	s25 =	simm.s32 $0x13B80  }
0x4f: {  	[tilespmem:s25], [sflag:$0x7] =	stream.linear.gather [hbm4b:s20+s4], $0x80, $0x38;
	[tilespmem:$0x1DE80] =	vst v63  }
0x50: {  	s26 =	rddreg [dreg:$0xb]  }
0x51: {  	[tilespmem:s28], [sflag:$0x8] =	stream.linear.gather [hbm4b:s26+s4], $0x80, $0x38;
	[tilespmem:$0x1DE80] =	vst v63  }
0x52: {  	s20 =	rddreg [dreg:$0xc]  }
0x53: {  	[tilespmem:s29], [sflag:$0x8] =	stream.linear.gather [hbm4b:s20+s4], $0x80, $0x38;
	[tilespmem:$0x1DE80] =	vst v63  }
0x54: {  	_ =	swait.ge [sflag:s30], $0x80  }
0x55: {  	[sflag:s30] =	ssyncset.done $0x0  }
0x56: {  	[sflag:s30] =	ssyncadd.s32 $0xFFFFFF80  }
0x57: {  	_ =	swait.ge [sflag:s30], $0x80  }
0x58: {  	[sflag:s30] =	ssyncset.done $0x0  }
0x59: {  	s25 =	simm.s32 $0x6;
	[sflag:s30] =	ssyncadd.s32 $0xFFFFFF80  }
0x5a: {  	[tilespmem:s0], [sflag:$0x1] =	stream.indirect.gather [hbm4b:s1+s31], $0x80, s21, s31, $0xb8;
	[tilespmem:$0x1DE80] =	vst v63  }
0x5b: {  	_ =	swait.ge [sflag:s25], $0x80  }
0x5c: {  	[sflag:s25] =	ssyncset.done $0x0  }
0x5d: {  	[sflag:s25] =	ssyncadd.s32 $0xFFFFFF80  }
0x5e: {  	_ =	swait.ge [sflag:s25], $0x80  }
0x5f: {  	[sflag:s25] =	ssyncset.done $0x0  }
0x60: {  	s26 =	simm.s32 $0x7;
	[sflag:s25] =	ssyncadd.s32 $0xFFFFFF80  }
0x61: {  	[tilespmem:s24], [sflag:$0x2] =	stream.indirect.gather [hbm4b:s1+s31], $0x80, s18, s31, $0xb8;
	[tilespmem:$0x1DE80] =	vst v63  }
0x62: {  	_ =	swait.ge [sflag:s26], $0x80  }
0x63: {  	[sflag:s26] =	ssyncset.done $0x0  }
0x64: {  	[sflag:s26] =	ssyncadd.s32 $0xFFFFFF80  }
0x65: {  	_ =	swait.ge [sflag:s26], $0x80  }
0x66: {  	[sflag:s26] =	ssyncset.done $0x0  }
0x67: {  	s25 =	simm.s32 $0x380;
	[sflag:s26] =	ssyncadd.s32 $0xFFFFFF80  }
0x68: {  	[tilespmem:s8], [sflag:$0x3] =	stream.indirect.gather [hbm4b:s1+s31], $0x80, s19, s31, $0xb8;
	[tilespmem:$0x1DE80] =	vst v63  }
.LBB2_2:
0x69: {  	_ =	swait.ge [sflag:s9], $0x2800  }
0x6a: {  	p1 =	seq.s32 s25, $0x380;
	[sflag:s9] =	ssyncset.done $0x0  }
0x6b: {  	s18 =	simm.s32 @!p1 $0xC;
	[sflag:s9] =	ssyncadd.s32 $0xFFFFD800  }
0x6c: {  	_ =	swait.ge @!p1 [sflag:s18], $0x2800  }
0x6d: {  	[sflag:s18] =	ssyncset.done @!p1 $0x0  }
0x6e: {  	[sflag:s18] =	ssyncadd.s32 @!p1 $0xFFFFD800  }
0x6f: {  	_ =	swait.ge [sflag:s10], $0x80  }
0x70: {  	[sflag:s10] =	ssyncset.done $0x0  }
0x71: {  	[sflag:s10] =	ssyncadd.s32 $0xFFFFFF80  }
0x72: {  	_ =	swait.ge [sflag:s10], $0x80  }
0x73: {  	[sflag:s10] =	ssyncset.done $0x0  }
0x74: {  	[sflag:s10] =	ssyncadd.s32 $0xFFFFFF80  }
0x75: {  	[tilespmem:s11], [sflag:$0x4] =	stream.indirect.gather [hbm4b:s1+s31], $0x80, s28, s31, $0xb8;
	[tilespmem:$0x1DE80] =	vst v63  }
0x76: {  	v0 =	vld [tilespmem:$0x13A80]  }
0x77: {  	v1 =	vld [tilespmem:$0x13A90]  }
0x78: {  	v2 =	vld [tilespmem:$0x13AA0]  }
0x79: {  	v3 =	vld [tilespmem:$0x13AB0]  }
0x7a: {  	v4 =	vld [tilespmem:$0x13AC0]  }
0x7b: {  	s20 =	sadd.s32 $0xFFFFFE80, s25;
	[tilespmem:$0x13C80] =	vst v0  }
0x7c: {  	s19 =	sand.u32 $0x7C00, s20;
	[tilespmem:$0x13C90] =	vst v1  }
0x7d: {  	s19 =	sadd.s32 s7, s19;
	s18 =	sand.u32 $0x200, s20;
	[tilespmem:$0x13CA0] =	vst v2  }
0x7e: {  	s18 =	sor.u32 s18, s19;
	[tilespmem:$0x13CB0] =	vst v3  }
0x7f: {  	s18 =	sshrl.u32 s18, $0x3;
	[tilespmem:$0x13CC0] =	vst v4  }
0x80: {  	[spmem:s2] =	stream.indirect.scatter.add.f32 [tilespmem:s0], [sflag:$0x9], $0x80, s12, s31, $0xb8;
	[tilespmem:$0x1DE80] =	vst v63  }
0x81: {  	s26 =	sadd.s32 s5, s18  }
0x82: {  	[tilespmem:s21], [sflag:$0x5] =	stream.linear.gather [hbm4b:s26+s4], $0x80, $0x38;
	[tilespmem:$0x1DE80] =	vst v63  }
0x83: {  	s18 =	sadd.s32 s6, s18  }
0x84: {  	[tilespmem:s22], [sflag:$0x5] =	stream.linear.gather [hbm4b:s18+s4], $0x80, $0x38;
	[tilespmem:$0x1DE80] =	vst v63  }
0x85: {  	_ =	swait.ge [sflag:s13], $0x2800  }
0x86: {  	[sflag:s13] =	ssyncset.done $0x0  }
0x87: {  	[sflag:s13] =	ssyncadd.s32 $0xFFFFD800  }
0x88: {  	_ =	swait.ge [sflag:s14], $0x2800  }
0x89: {  	[sflag:s14] =	ssyncset.done $0x0  }
0x8a: {  	[sflag:s14] =	ssyncadd.s32 $0xFFFFD800  }
0x8b: {  	_ =	swait.ge [sflag:s30], $0x80  }
0x8c: {  	[sflag:s30] =	ssyncset.done $0x0  }
0x8d: {  	[sflag:s30] =	ssyncadd.s32 $0xFFFFFF80  }
0x8e: {  	_ =	swait.ge [sflag:s30], $0x80  }
0x8f: {  	[sflag:s30] =	ssyncset.done $0x0  }
0x90: {  	[sflag:s30] =	ssyncadd.s32 $0xFFFFFF80  }
0x91: {  	[tilespmem:s0], [sflag:$0x1] =	stream.indirect.gather [hbm4b:s1+s31], $0x80, s21, s31, $0xb8;
	[tilespmem:$0x1DE80] =	vst v63  }
0x92: {  	v49 =	vld [tilespmem:$0x13B00]  }
0x93: {  	v50 =	vld [tilespmem:$0x13B10]  }
0x94: {  	v51 =	vld [tilespmem:$0x13B20]  }
0x95: {  	v52 =	vld [tilespmem:$0x13B30]  }
0x96: {  	v53 =	vld [tilespmem:$0x13B40]  }
0x97: {  	[tilespmem:$0x13D00] =	vst v49  }
0x98: {  	[tilespmem:$0x13D10] =	vst v50  }
0x99: {  	[tilespmem:$0x13D20] =	vst v51  }
0x9a: {  	p1 =	seq.s32 s25, $0x3F80;
	[tilespmem:$0x13D30] =	vst v52  }
0x9b: {  	s18 =	simm.s32 @p1 $0x3;
	[tilespmem:$0x13D40] =	vst v53  }
0x9c: {  	[spmem:s2] =	stream.indirect.scatter.add.f32 [tilespmem:s24], [sflag:$0xA], $0x80, s15, s31, $0xb8;
	[tilespmem:$0x1DE80] =	vst v63  }
0x9d: {  	_ =	swait.ge @p1 [sflag:s18], $0x2800  }
0x9e: {  	s19 =	sadd.s32 @!p1 $0xFFFFFF00, s25;
	[sflag:s18] =	ssyncset.done @p1 $0x0  }
0x9f: {  	s20 =	sand.u32 @!p1 $0x7C00, s19;
	[sflag:s18] =	ssyncadd.s32 @p1 $0xFFFFD800;
	s18 =	simm.s32 @p1 $0xA  }
0xa0: {  	s19 =	sand.u32 @!p1 $0x280, s19;
	s20 =	sadd.s32 @!p1 s7, s20;
	_ =	swait.ge @p1 [sflag:s18], $0x2800  }
0xa1: {  	s19 =	sor.u32 @!p1 s19, s20;
	[sflag:s18] =	ssyncset.done @p1 $0x0  }
0xa2: {  	[sflag:s18] =	ssyncadd.s32 @p1 $0xFFFFD800;
	s18 =	sshrl.u32 @!p1 s19, $0x3  }
0xa3: {  	s3 =	simm.s32 @!p1 $0x13900;
	s20 =	simm.s32 @!p1 $0x0;
	s19 =	sadd.s32 @!p1 s5, s18  }
0xa4: {  	[tilespmem:s3], [sflag:$0x6] =	stream.linear.gather @!p1 [hbm4b:s19+s20], $0x80, $0x38;
	[tilespmem:$0x1DE80] =	vst v63  }
0xa5: {  	s18 =	sadd.s32 @!p1 s6, s18;
	s19 =	simm.s32 @!p1 $0x13B00  }
0xa6: {  	[tilespmem:s19], [sflag:$0x6] =	stream.linear.gather @!p1 [hbm4b:s18+s20], $0x80, $0x38;
	[tilespmem:$0x1DE80] =	vst v63  }
0xa7: {  	s18 =	simm.s32 @!p1 $0x3  }
0xa8: {  	_ =	swait.ge @!p1 [sflag:s18], $0x2800  }
0xa9: {  	[sflag:s18] =	ssyncset.done @!p1 $0x0  }
0xaa: {  	[sflag:s18] =	ssyncadd.s32 @!p1 $0xFFFFD800;
	s18 =	simm.s32 @!p1 $0xA  }
0xab: {  	_ =	swait.ge @!p1 [sflag:s18], $0x2800  }
0xac: {  	[sflag:s18] =	ssyncset.done @!p1 $0x0  }
0xad: {  	[sflag:s18] =	ssyncadd.s32 @!p1 $0xFFFFD800;
	s18 =	simm.s32 @!p1 $0x6  }
0xae: {  	_ =	swait.ge @!p1 [sflag:s18], $0x80  }
0xaf: {  	[sflag:s18] =	ssyncset.done @!p1 $0x0  }
0xb0: {  	[sflag:s18] =	ssyncadd.s32 @!p1 $0xFFFFFF80  }
0xb1: {  	_ =	swait.ge @!p1 [sflag:s18], $0x80  }
0xb2: {  	[sflag:s18] =	ssyncset.done @!p1 $0x0  }
0xb3: {  	s19 =	simm.s32 @!p1 $0x16680;
	[sflag:s18] =	ssyncadd.s32 @!p1 $0xFFFFFF80;
	s18 =	simm.s32 @!p1 $0x50  }
0xb4: {  	[tilespmem:s19], [sflag:$0x2] =	stream.indirect.gather @!p1 [hbm4b:s1+s18], $0x80, s3, s18, $0xb8;
	[tilespmem:$0x1DE80] =	vst v63  }
0xb5: {  	v54 =	vld [tilespmem:$0x13B80]  }
0xb6: {  	v55 =	vld [tilespmem:$0x13B90]  }
0xb7: {  	v56 =	vld [tilespmem:$0x13BA0]  }
0xb8: {  	v57 =	vld [tilespmem:$0x13BB0]  }
0xb9: {  	v58 =	vld [tilespmem:$0x13BC0]  }
0xba: {  	[tilespmem:$0x13D80] =	vst v54  }
0xbb: {  	[tilespmem:$0x13D90] =	vst v55  }
0xbc: {  	[tilespmem:$0x13DA0] =	vst v56  }
0xbd: {  	[tilespmem:$0x13DB0] =	vst v57  }
0xbe: {  	s3 =	simm.s32 @p1 $0x4;
	[tilespmem:$0x13DC0] =	vst v58  }
0xbf: {  	[spmem:s2] =	stream.indirect.scatter.add.f32 [tilespmem:s8], [sflag:$0xB], $0x80, s16, s31, $0xb8;
	[tilespmem:$0x1DE80] =	vst v63  }
0xc0: {  	_ =	swait.ge @p1 [sflag:s3], $0x2800  }
0xc1: {  	s19 =	sadd.s32 @!p1 $0xFFFFFF80, s25;
	[sflag:s3] =	ssyncset.done @p1 $0x0  }
0xc2: {  	[sflag:s3] =	ssyncadd.s32 @p1 $0xFFFFD800;
	s3 =	sand.u32 @!p1 $0x7C00, s19  }
0xc3: {  	s26 =	simm.s32 @p1 $0xB;
	s19 =	sand.u32 @!p1 $0x300, s19;
	s3 =	sadd.s32 @!p1 s7, s3  }
0xc4: {  	_ =	swait.ge @p1 [sflag:s26], $0x2800;
	s3 =	sor.u32 @!p1 s19, s3  }
0xc5: {  	[sflag:s26] =	ssyncset.done @p1 $0x0;
	s3 =	sshrl.u32 @!p1 s3, $0x3  }
0xc6: {  	[sflag:s26] =	ssyncadd.s32 @p1 $0xFFFFD800;
	s26 =	simm.s32 @!p1 $0x13980;
	s19 =	sadd.s32 @!p1 s5, s3  }
0xc7: {  	[tilespmem:s26], [sflag:$0x7] =	stream.linear.gather @!p1 [hbm4b:s19+s20], $0x80, $0x38;
	[tilespmem:$0x1DE80] =	vst v63  }
0xc8: {  	s3 =	sadd.s32 @!p1 s6, s3;
	s19 =	simm.s32 @!p1 $0x13B80  }
0xc9: {  	[tilespmem:s19], [sflag:$0x7] =	stream.linear.gather @!p1 [hbm4b:s3+s20], $0x80, $0x38;
	[tilespmem:$0x1DE80] =	vst v63  }
0xca: {  	s3 =	simm.s32 @!p1 $0x4  }
0xcb: {  	_ =	swait.ge @!p1 [sflag:s3], $0x2800  }
0xcc: {  	[sflag:s3] =	ssyncset.done @!p1 $0x0  }
0xcd: {  	[sflag:s3] =	ssyncadd.s32 @!p1 $0xFFFFD800;
	s3 =	simm.s32 @!p1 $0xB  }
0xce: {  	_ =	swait.ge @!p1 [sflag:s3], $0x2800  }
0xcf: {  	[sflag:s3] =	ssyncset.done @!p1 $0x0  }
0xd0: {  	[sflag:s3] =	ssyncadd.s32 @!p1 $0xFFFFD800;
	s3 =	simm.s32 @!p1 $0x7  }
0xd1: {  	_ =	swait.ge @!p1 [sflag:s3], $0x80  }
0xd2: {  	[sflag:s3] =	ssyncset.done @!p1 $0x0  }
0xd3: {  	[sflag:s3] =	ssyncadd.s32 @!p1 $0xFFFFFF80  }
0xd4: {  	_ =	swait.ge @!p1 [sflag:s3], $0x80  }
0xd5: {  	[sflag:s3] =	ssyncset.done @!p1 $0x0  }
0xd6: {  	[sflag:s3] =	ssyncadd.s32 @!p1 $0xFFFFFF80;
	s3 =	simm.s32 @!p1 $0x18E80  }
0xd7: {  	[tilespmem:s3], [sflag:$0x3] =	stream.indirect.gather @!p1 [hbm4b:s1+s18], $0x80, s26, s18, $0xb8;
	[tilespmem:$0x1DE80] =	vst v63  }
0xd8: {  	v59 =	vld [tilespmem:$0x13C00]  }
0xd9: {  	v60 =	vld [tilespmem:$0x13C10]  }
0xda: {  	v61 =	vld [tilespmem:$0x13C20]  }
0xdb: {  	v62 =	vld [tilespmem:$0x13C30]  }
0xdc: {  	v63 =	vld [tilespmem:$0x13C40]  }
0xdd: {  	[tilespmem:$0x13E00] =	vst v59  }
.Ltmp2:
0xde: {  	[tilespmem:$0x13E10] =	vst v60;
	(pc) =	sbr.rel @p1 .LBB2_4-.Ltmp2, $4  }
0xdf: {  	[tilespmem:$0x13E20] =	vst v61  }
0xe0: {  	[tilespmem:$0x13E30] =	vst v62  }
0xe1: {  	[tilespmem:$0x13E40] =	vst v63  }
0xe2: {  	[spmem:s2] =	stream.indirect.scatter.add.f32 [tilespmem:s11], [sflag:$0xC], $0x80, s17, s31, $0xb8;
	[tilespmem:$0x1DE80] =	vst v63  }
0xe3: {  	s3 =	sand.u32 $0x7C00, s25  }
0xe4: {  	s18 =	sand.u32 $0x380, s25;
	s3 =	sadd.s32 s7, s3  }
0xe5: {  	s3 =	sor.u32 s18, s3  }
.Ltmp3:
0xe6: {  	s3 =	sshrl.u32 s3, $0x3;
	(pc) =	sbr.rel .LBB2_2-.Ltmp3, $4  }
0xe7: {  	s26 =	sadd.s32 s5, s3  }
0xe8: {  	[tilespmem:s28], [sflag:$0x8] =	stream.linear.gather [hbm4b:s26+s4], $0x80, $0x38;
	[tilespmem:$0x1DE80] =	vst v63  }
0xe9: {  	s25 =	sadd.s32 $0x200, s25;
	s3 =	sadd.s32 s6, s3  }
0xea: {  	[tilespmem:s29], [sflag:$0x8] =	stream.linear.gather [hbm4b:s3+s4], $0x80, $0x38;
	[tilespmem:$0x1DE80] =	vst v63  }
.LBB2_5:
0xeb: {  	_ =	sfence.sel $0x180000  }
0xec: {  	[bflag:$0x0] =	sbarrier.arrive $0xFFFF  }
0xed: {  	_ =	strace $0x9000004A  }
0xee: {  	s0 =	stileid.u32;
	[bflag:$0x2] =	sbarrier.arrive $0xFFFF  }
0xef: {  	p0 =	sne.s32 s0, $0x0;
	s0 =	rddreg [dreg:$0x3]  }
0xf0: {  	s0 =	sadd.s32 @!p0 $0x100000, s0  }
0xf1: {  	[sflag:s0] =	ssyncadd.tile.s32 @!p0 $0x1;
	_ =	shalt  }
.Lfunc_end2:
_tile_overlayer_lowered:
.L_overlay_start_2:
0xf2: {  	(tag) =	ssettag $0x2  }
0xf3: {  	s0 =	rddreg [dreg:$0x0];
	s2 =	stileid.u32  }
0xf4: {  	s1 =	rddreg [dreg:$0x1];
	p0 =	sne.s32 s2, $0x0  }
0xf5: {  	s3 =	rddreg [dreg:$0x2];
	[bflag:$0x3] =	sbarrier.arrive $0xFFFF;
	s2 =	simm.s32 @!p0 $0x1C0D  }
0xf6: {  	[timem:s3], [sflag:s2] =	dma.local @!p0 [hbm:s0], s1  }
0xf7: {  	s0 =	simm.s32 @!p0 $0xD  }
0xf8: {  	_ =	swait.ge @!p0 [sflag:s0], s1  }
0xf9: {  	s1 =	ssub.s32 @!p0 $0x0, s1;
	[sflag:s0] =	ssyncset.done @!p0 $0x0  }
0xfa: {  	[sflag:s0] =	ssyncadd.s32 @!p0 s1  }
0xfb: {  	[bflag:$0x3] =	sbarrier.arrive $0xFFFF  }
0xfc: {  	_ =	shalt  }

</sc_bundles>
